<compile_context>
chip_gen: v7x
topology: tpu7x:2x2x1
jax: 0.10.2.dev20260603
libtpu: 0.0.44.dev20260713+nightly
codegen_flags: <defaults>
</compile_context>

<pallas_src>
import functools

import jax
import jax.numpy as jnp
from jax import lax
from jax.experimental import pallas as pl
from jax.experimental.pallas import tpu as pltpu
from jax.experimental.pallas import tpu_sc as plsc

N_NODES = 10000
N_EDGES = 160000
UNITS = 64
NUM_RBF = 32
CUTOFF = 5.0


EDGE_BLK = 6400
EW_ROWS = EDGE_BLK // 128


def _edge_mlp_body(attr_ref, ew_ref, w0_ref, b0_ref, w1_ref, b1_ref,
                   w2_ref, b2_ref, h_ref):
    a = attr_ref[...].astype(jnp.bfloat16)
    h1 = jax.nn.silu(
        jnp.dot(a, w0_ref[...], preferred_element_type=jnp.float32)
        + b0_ref[...])
    h2 = jax.nn.silu(
        jnp.dot(h1.astype(jnp.bfloat16), w1_ref[...],
                preferred_element_type=jnp.float32)
        + b1_ref[...])
    h3 = jax.nn.silu(
        jnp.dot(h2.astype(jnp.bfloat16), w2_ref[...],
                preferred_element_type=jnp.float32)
        + b2_ref[...])
    r = ew_ref[0]
    c = 0.5 * (jnp.cos(r * (jnp.pi / CUTOFF)) + 1.0)
    c = jnp.where(r < CUTOFF, c, 0.0)
    prod = h3.reshape(EW_ROWS, 128, 3 * UNITS) * c[:, :, None]
    prod = prod.reshape(EDGE_BLK, 3 * UNITS)
    h_ref[...] = jnp.concatenate(
        [prod, jnp.zeros((EDGE_BLK, UNITS), jnp.float32)], axis=1)


def _edge_mlp(edge_attr, edge_weight, w0, b0, w1, b1, w2p, b2p):
    grid = N_EDGES // EDGE_BLK
    return pl.pallas_call(
        _edge_mlp_body,
        grid=(grid,),
        in_specs=[
            pl.BlockSpec((EDGE_BLK, NUM_RBF), lambda i: (i, 0)),
            pl.BlockSpec((1, EW_ROWS, 128), lambda i: (i, 0, 0)),
            pl.BlockSpec((NUM_RBF, UNITS), lambda i: (0, 0)),
            pl.BlockSpec((1, UNITS), lambda i: (0, 0)),
            pl.BlockSpec((UNITS, 2 * UNITS), lambda i: (0, 0)),
            pl.BlockSpec((1, 2 * UNITS), lambda i: (0, 0)),
            pl.BlockSpec((2 * UNITS, 3 * UNITS), lambda i: (0, 0)),
            pl.BlockSpec((1, 3 * UNITS), lambda i: (0, 0)),
        ],
        out_specs=pl.BlockSpec((EDGE_BLK, 4 * UNITS), lambda i: (i, 0)),
        out_shape=jax.ShapeDtypeStruct((N_EDGES, 4 * UNITS), jnp.float32),
        compiler_params=pltpu.CompilerParams(
            allow_input_fusion=[True] + [False] * 7),
    )(edge_attr, edge_weight, w0, b0, w1, b1, w2p, b2p)



COLS_PER_CORE = 128
EPW = N_EDGES // 16
CHUNK = 128
NFULL = EPW // CHUNK
TAIL = EPW - NFULL * CHUNK
N_ACC = 10240
ROWS_PER_SUB = N_ACC // 16
LAST_ROWS = N_NODES - 15 * ROWS_PER_SUB


def _sc_segsum_body(h_hbm, dst_hbm, zeros_hbm, out_hbm,
                    idx0_v, idx1_v, rows0_v, rows1_v, idxt_v, rowst_v, acc_sh,
                    sem_i0, sem_i1, sem_r0, sem_r1):
    c = lax.axis_index("c")
    s = lax.axis_index("s")
    col0 = c * COLS_PER_CORE
    pltpu.sync_copy(zeros_hbm, acc_sh.at[pl.ds(s * ROWS_PER_SUB, ROWS_PER_SUB)])
    plsc.subcore_barrier()

    base = s * EPW
    idxb = (idx0_v, idx1_v)
    rowsb = (rows0_v, rows1_v)
    semi = (sem_i0, sem_i1)
    semr = (sem_r0, sem_r1)

    def start_load(chunk, b):
        off = base + chunk * CHUNK
        pltpu.async_copy(dst_hbm.at[pl.ds(off, CHUNK)], idxb[b], semi[b])
        pltpu.async_copy(
            h_hbm.at[pl.ds(off, CHUNK), pl.ds(col0, COLS_PER_CORE)],
            rowsb[b], semr[b])

    def wait_load(b):
        pltpu.make_async_copy(dst_hbm.at[pl.ds(0, CHUNK)], idxb[b],
                              semi[b]).wait()
        pltpu.make_async_copy(
            h_hbm.at[pl.ds(0, CHUNK), pl.ds(col0, COLS_PER_CORE)],
            rowsb[b], semr[b]).wait()

    start_load(0, 0)
    start_load(1, 1)

    def chunk_body(i, carry):
        for k in (0, 1):
            g = 2 * i + k
            wait_load(k)
            pltpu.sync_copy(rowsb[k], acc_sh.at[idxb[k]], add=True)

            @pl.when(g + 2 < NFULL)
            def _():
                start_load(g + 2, k)
        return carry

    lax.fori_loop(0, NFULL // 2, chunk_body, 0)

    b = base + NFULL * CHUNK
    pltpu.sync_copy(dst_hbm.at[pl.ds(b, TAIL)], idxt_v)
    pltpu.sync_copy(h_hbm.at[pl.ds(b, TAIL), pl.ds(col0, COLS_PER_CORE)],
                    rowst_v)
    pltpu.sync_copy(rowst_v, acc_sh.at[idxt_v], add=True)

    plsc.subcore_barrier()

    @pl.when(s < 15)
    def _():
        pltpu.sync_copy(acc_sh.at[pl.ds(s * ROWS_PER_SUB, ROWS_PER_SUB)],
                        out_hbm.at[pl.ds(s * ROWS_PER_SUB, ROWS_PER_SUB),
                                   pl.ds(col0, COLS_PER_CORE)])

    @pl.when(s == 15)
    def _():
        pltpu.sync_copy(acc_sh.at[pl.ds(15 * ROWS_PER_SUB, LAST_ROWS)],
                        out_hbm.at[pl.ds(15 * ROWS_PER_SUB, LAST_ROWS),
                                   pl.ds(col0, COLS_PER_CORE)])


def _sc_segsum(h, dst):
    zeros = jnp.zeros((ROWS_PER_SUB, COLS_PER_CORE), jnp.float32)
    mesh = plsc.VectorSubcoreMesh(core_axis_name="c", subcore_axis_name="s")
    f = pl.kernel(
        _sc_segsum_body,
        out_type=jax.ShapeDtypeStruct((N_NODES, 4 * UNITS), jnp.float32),
        mesh=mesh,
        scratch_types=[
            pltpu.VMEM((CHUNK,), jnp.int32),
            pltpu.VMEM((CHUNK,), jnp.int32),
            pltpu.VMEM((CHUNK, COLS_PER_CORE), jnp.float32),
            pltpu.VMEM((CHUNK, COLS_PER_CORE), jnp.float32),
            pltpu.VMEM((TAIL,), jnp.int32),
            pltpu.VMEM((TAIL, COLS_PER_CORE), jnp.float32),
            pltpu.VMEM_SHARED((N_ACC, COLS_PER_CORE), jnp.float32),
            pltpu.SemaphoreType.DMA,
            pltpu.SemaphoreType.DMA,
            pltpu.SemaphoreType.DMA,
            pltpu.SemaphoreType.DMA,
        ],
    )
    return f(h, dst, zeros)



NODE_BLK = 400

_IJ = [(0, 0), (0, 1), (0, 2), (1, 0), (1, 1), (1, 2), (2, 0), (2, 1), (2, 2)]
_UPPER = [(0, 1), (0, 2), (1, 2)]
_DIAG = [(0, 0), (1, 1), (2, 2)]
_SYM = [(0, 0), (0, 1), (0, 2), (1, 1), (1, 2), (2, 2)]


def _node_body(x_ref, h_ref, wt0_ref, wt1_ref, wt2_ref, wt3_ref, wt4_ref,
               wt5_ref, o_ref):
    xf = x_ref[...]
    x = [[xf[:, (3 * i + j) * UNITS:(3 * i + j + 1) * UNITS]
          for j in range(3)] for i in range(3)]
    norm = 1.0 + sum(x[i][j] * x[i][j] for (i, j) in _IJ)
    rn = 1.0 / norm
    xn = [[x[i][j] * rn for j in range(3)] for i in range(3)]

    i0 = (xn[0][0] + xn[1][1] + xn[2][2]) * (1.0 / 3.0)
    a = {(i, j): 0.5 * (xn[i][j] - xn[j][i]) for (i, j) in _UPPER}
    s = {(i, j): 0.5 * (xn[i][j] + xn[j][i]) for (i, j) in _UPPER}
    for (i, j) in _DIAG:
        s[(i, j)] = xn[i][j] - i0

    wt0 = wt0_ref[...]
    wt1 = wt1_ref[...]
    wt2 = wt2_ref[...]

    def mm(v, w):
        return jnp.dot(v, w, preferred_element_type=jnp.float32)

    il = mm(i0, wt0)
    al = {k: mm(a[k], wt1) for k in _UPPER}
    sl = {k: mm(s[k], wt2) for k in _SYM}

    def full_mat(diag_i, ad, sd):
        m = [[None] * 3 for _ in range(3)]
        for i in range(3):
            for j in range(3):
                if i == j:
                    m[i][j] = diag_i + sd[(i, i)]
                elif i < j:
                    m[i][j] = ad[(i, j)] + sd[(i, j)]
                else:
                    m[i][j] = sd[(j, i)] - ad[(j, i)]
        return m

    y = full_mat(il, al, sl)

    hsum = h_ref[...]
    h0 = hsum[:, 0:UNITS]
    h1 = hsum[:, UNITS:2 * UNITS]
    h2 = hsum[:, 2 * UNITS:3 * UNITS]

    ilh = il * h0
    alh = {k: al[k] * h1 for k in _UPPER}
    slh = {k: sl[k] * h2 for k in _SYM}
    msg = full_mat(ilh, alh, slh)

    c2 = [[None] * 3 for _ in range(3)]
    for i in range(3):
        for l in range(3):
            acc = y[i][0] * msg[0][l] + msg[i][0] * y[0][l]
            acc += y[i][1] * msg[1][l] + msg[i][1] * y[1][l]
            acc += y[i][2] * msg[2][l] + msg[i][2] * y[2][l]
            c2[i][l] = acc

    i2 = (c2[0][0] + c2[1][1] + c2[2][2]) * (1.0 / 3.0)
    np1 = 1.0 + sum(c2[i][j] * c2[i][j] for (i, j) in _IJ)
    rp = 1.0 / np1

    a2 = {(i, j): (0.5 * (c2[i][j] - c2[j][i])) * rp for (i, j) in _UPPER}
    s2 = {(i, j): (0.5 * (c2[i][j] + c2[j][i])) * rp for (i, j) in _UPPER}
    for (i, j) in _DIAG:
        s2[(i, j)] = (c2[i][j] - i2) * rp
    i2r = i2 * rp

    i3 = mm(i2r, wt3_ref[...])
    wt4 = wt4_ref[...]
    wt5 = wt5_ref[...]
    a3 = {k: mm(a2[k], wt4) for k in _UPPER}
    s3 = {k: mm(s2[k], wt5) for k in _SYM}
    dx = full_mat(i3, a3, s3)

    ocols = []
    for i in range(3):
        for j in range(3):
            o = xn[i][j] + dx[i][j]
            o += dx[i][0] * dx[0][j] + dx[i][1] * dx[1][j] + dx[i][2] * dx[2][j]
            ocols.append(o)
    o_ref[...] = jnp.concatenate(ocols, axis=1)


def _node_stage(x, hsum, wt0, wt1, wt2, wt3, wt4, wt5):
    grid = N_NODES // NODE_BLK
    wspec = pl.BlockSpec((UNITS, UNITS), lambda i: (0, 0))
    return pl.pallas_call(
        _node_body,
        grid=(grid,),
        in_specs=[
            pl.BlockSpec((NODE_BLK, 9 * UNITS), lambda i: (i, 0)),
            pl.BlockSpec((NODE_BLK, 4 * UNITS), lambda i: (i, 0)),
            wspec, wspec, wspec, wspec, wspec, wspec,
        ],
        out_specs=pl.BlockSpec((NODE_BLK, 9 * UNITS), lambda i: (i, 0)),
        out_shape=jax.ShapeDtypeStruct((N_NODES, 9 * UNITS), jnp.float32),
    )(x, hsum, wt0, wt1, wt2, wt3, wt4, wt5)




def kernel(X, edge_index, edge_weight, edge_attr, Ws0, bs0, Ws1, bs1, Ws2,
           bs2, Wt0, Wt1, Wt2, Wt3, Wt4, Wt5):
    perm = (jnp.arange(3)[:, None] + 3 * jnp.arange(UNITS)[None, :]).reshape(-1)
    w2p = Ws2[:, perm]
    b2p = bs2[perm]

    h = _edge_mlp(edge_attr, edge_weight.reshape(-1, EW_ROWS, 128),
                  Ws0.astype(jnp.bfloat16), bs0.reshape(1, -1),
                  Ws1.astype(jnp.bfloat16), bs1.reshape(1, -1),
                  w2p.astype(jnp.bfloat16), b2p.reshape(1, -1))
    dst = edge_index[1]
    hsum = _sc_segsum(h, dst)
    out = _node_stage(X.reshape(N_NODES, 9 * UNITS), hsum,
                      Wt0, Wt1, Wt2, Wt3, Wt4, Wt5)
    return out.reshape(N_NODES, 3, 3, UNITS)

# --- scband reference (transcript-rebuilt; emitter-appended) ---
"""Pipeline reference for scband-tensor-net-interaction-51110110822523 (READ-ONLY COPY).

The authoritative reference and input builder live on the scoring server;
editing this copy changes nothing except your own understanding.
"""

import jax, jax.numpy as jnp
import numpy as np

N = 10000
E = 160000
UNITS = 64
NUM_RBF = 32
CUTOFF = 5.0


def cosine_cutoff(r):
    return 0.5 * (jnp.cos(r * jnp.pi / CUTOFF) + 1.0) * (r < CUTOFF).astype(r.dtype)


def decompose_tensor(T):
    # T: (n, units, 3, 3)
    I = (jnp.einsum('nuii->nu', T) / 3.0)[:, :, None, None]
    A = 0.5 * (T - jnp.swapaxes(T, -2, -1))
    S = 0.5 * (T + jnp.swapaxes(T, -2, -1)) - I * jnp.eye(3, dtype=T.dtype)
    return I, A, S


def compose_tensor(I, A, S):
    if I.shape[1] == 1 and I.shape[2] == 1:
        eye = jnp.eye(3, dtype=I.dtype)
        Iexp = I[:, 0, 0, :][:, None, None, :] * eye[None, :, :, None]
    else:
        Iexp = I
    return Iexp + A + S


def _lin(x, W):
    return jnp.einsum('...u,uv->...v', x, W)


def _forward(X, edge_weight, edge_attr, Ws0, bs0, Ws1, bs1, Ws2, bs2, Wt0, Wt1, Wt2, Wt3, Wt4, Wt5, edge_index):
    num_nodes = X.shape[0]
    C = cosine_cutoff(edge_weight)
    h = jax.nn.silu(edge_attr @ Ws0 + bs0)
    h = jax.nn.silu(h @ Ws1 + bs1)
    h = jax.nn.silu(h @ Ws2 + bs2)
    h = (h * C[:, None]).reshape(edge_attr.shape[0], UNITS, 3)
    normX = jnp.sum(X ** 2, axis=(-3, -2)) + 1.0
    X = X / normX[:, None, None, :]
    Xp = jnp.transpose(X, (0, 3, 1, 2))
    I, A, S = decompose_tensor(Xp)
    I = jnp.transpose(I, (0, 2, 3, 1))
    A = jnp.transpose(A, (0, 2, 3, 1))
    S = jnp.transpose(S, (0, 2, 3, 1))
    I = _lin(I, Wt0)
    A = _lin(A, Wt1)
    S = _lin(S, Wt2)
    Y = compose_tensor(I, A, S)
    dst = edge_index[1]
    I_m = I[dst] * h[:, :, 0][:, None, None, :]
    A_m = A[dst] * h[:, :, 1][:, None, None, :]
    S_m = S[dst] * h[:, :, 2][:, None, None, :]
    Im = jax.ops.segment_sum(I_m, dst, num_segments=num_nodes)
    Am = jax.ops.segment_sum(A_m, dst, num_segments=num_nodes)
    Sm = jax.ops.segment_sum(S_m, dst, num_segments=num_nodes)
    msg = compose_tensor(Im, Am, Sm)
    Cten = jnp.einsum('nijk,njlk->nilk', Y, msg) + jnp.einsum('nijk,njlk->nilk', msg, Y)
    Cp = jnp.transpose(Cten, (0, 3, 1, 2))
    I, A, S = decompose_tensor(Cp)
    I = jnp.transpose(I, (0, 2, 3, 1))
    A = jnp.transpose(A, (0, 2, 3, 1))
    S = jnp.transpose(S, (0, 2, 3, 1))
    Xc = compose_tensor(I, A, S)
    normp1 = (jnp.sum(Xc ** 2, axis=(-3, -2)) + 1.0)[:, None, None, :]
    I = I / normp1
    A = A / normp1
    S = S / normp1
    I = _lin(I, Wt3)
    A = _lin(A, Wt4)
    S = _lin(S, Wt5)
    dX = compose_tensor(I, A, S)
    X = X + dX + jnp.einsum('nijk,njlk->nilk', dX, dX)
    return X


def setup_inputs(seed: int = 0) -> dict:
    key = jax.random.key(seed)
    ks = jax.random.split(key, 16)
    X = jax.random.normal(ks[0], (N, 3, 3, UNITS), dtype=jnp.float32)
    edge_index = jax.random.randint(ks[1], (2, E), 0, N, dtype=jnp.int32)
    edge_weight = jax.random.uniform(ks[2], (E,), dtype=jnp.float32) * CUTOFF
    edge_attr = jax.random.normal(ks[3], (E, NUM_RBF), dtype=jnp.float32)

    def xavier(k, shape):
        lim = np.sqrt(6.0 / (shape[0] + shape[1]))
        return jax.random.uniform(k, shape, dtype=jnp.float32, minval=-lim, maxval=lim)

    Ws0 = xavier(ks[4], (NUM_RBF, UNITS))
    bs0 = jnp.zeros((UNITS,), jnp.float32)
    Ws1 = xavier(ks[5], (UNITS, 2 * UNITS))
    bs1 = jnp.zeros((2 * UNITS,), jnp.float32)
    Ws2 = xavier(ks[6], (2 * UNITS, 3 * UNITS))
    bs2 = jnp.zeros((3 * UNITS,), jnp.float32)
    Wt0 = xavier(ks[7], (UNITS, UNITS))
    Wt1 = xavier(ks[8], (UNITS, UNITS))
    Wt2 = xavier(ks[9], (UNITS, UNITS))
    Wt3 = xavier(ks[10], (UNITS, UNITS))
    Wt4 = xavier(ks[11], (UNITS, UNITS))
    Wt5 = xavier(ks[12], (UNITS, UNITS))
    return {"X": X, "edge_index": edge_index, "edge_weight": edge_weight, "edge_attr": edge_attr,
            "Ws0": Ws0, "bs0": bs0, "Ws1": Ws1, "bs1": bs1, "Ws2": Ws2, "bs2": bs2,
            "Wt0": Wt0, "Wt1": Wt1, "Wt2": Wt2, "Wt3": Wt3, "Wt4": Wt4, "Wt5": Wt5}


def reference(X, edge_index, edge_weight, edge_attr, Ws0, bs0, Ws1, bs1, Ws2, bs2, Wt0, Wt1, Wt2, Wt3, Wt4, Wt5):
    return _forward(X, edge_weight, edge_attr, Ws0, bs0, Ws1, bs1, Ws2, bs2, Wt0, Wt1, Wt2, Wt3, Wt4, Wt5, edge_index)

if __name__ == "__main__":
    import jax
    _d = setup_inputs()
    print(jax.jit(kernel)(*tuple(_d.values())))

</pallas_src>

<mosaic_0001>
#map = affine_map<(d0, d1) -> (0, 0)>
#map1 = affine_map<(d0, d1) -> (0)>
module attributes {stable_mosaic.version = 14 : i64} {
  func.func @_sc_segsum_body(%arg0: i32, %arg1: i32, %arg2: memref<160000x256xf32, #tpu.memory_space<hbm>>, %arg3: memref<160000xi32, #tpu.memory_space<hbm>>, %arg4: memref<640x128xf32, #tpu.memory_space<hbm>>, %arg5: memref<10000x256xf32, #tpu.memory_space<hbm>>, %arg6: memref<128xi32, #tpu.memory_space<vmem>>, %arg7: memref<128xi32, #tpu.memory_space<vmem>>, %arg8: memref<128x128xf32, #tpu.memory_space<vmem>>, %arg9: memref<128x128xf32, #tpu.memory_space<vmem>>, %arg10: memref<16xi32, #tpu.memory_space<vmem>>, %arg11: memref<16x128xf32, #tpu.memory_space<vmem>>, %arg12: memref<10240x128xf32, #tpu.memory_space<vmem_shared>>, %arg13: memref<!tpu.dma_semaphore, #tpu.memory_space<semaphore_mem>>, %arg14: memref<!tpu.dma_semaphore, #tpu.memory_space<semaphore_mem>>, %arg15: memref<!tpu.dma_semaphore, #tpu.memory_space<semaphore_mem>>, %arg16: memref<!tpu.dma_semaphore, #tpu.memory_space<semaphore_mem>>) attributes {dimension_semantics = [#tpu.dimension_semantics<core_parallel>, #tpu.dimension_semantics<subcore_parallel>], iteration_bounds = array<i64: 2, 16>, scalar_prefetch = 0 : i64, scratch_operands = 11 : i64, tpu.core_type = #tpu.core_type<sc_vector_subcore>, window_params = [{transform_indices = #map}, {transform_indices = #map1}, {transform_indices = #map}, {transform_indices = #map}]} {
    %mul3A = arith.constant 128 : i32
    %mul3A_0 = arith.muli %arg0, %mul3A : i32
    %mul3A_1 = arith.constant 640 : i32
    %mul3A_2 = arith.muli %arg1, %mul3A_1 : i32
    "tpu.region"() ({
      %run_scoped3A = tpu.sem_alloc : memref<!tpu.dma_semaphore, #tpu.memory_space<semaphore_mem>>
      %dma_start3A_29 = arith.constant 0 : i32
      %dma_start3A_30 = tpu.memref_slice %arg12[%mul3A_2, %dma_start3A_29] : memref<10240x128xf32, #tpu.memory_space<vmem_shared>> -> memref<640x128xf32, #tpu.memory_space<vmem_shared>>
      tpu.enqueue_dma source(%arg4 : memref<640x128xf32, #tpu.memory_space<hbm>>) target(%dma_start3A_30 : memref<640x128xf32, #tpu.memory_space<vmem_shared>>) target_semaphore(%run_scoped3A : memref<!tpu.dma_semaphore, #tpu.memory_space<semaphore_mem>>)
      %dma_wait3A = arith.constant 0 : i32
      %dma_wait3A_31 = tpu.memref_slice %arg12[%mul3A_2, %dma_wait3A] : memref<10240x128xf32, #tpu.memory_space<vmem_shared>> -> memref<640x128xf32, #tpu.memory_space<vmem_shared>>
      tpu.wait_dma2 semaphore(%run_scoped3A : memref<!tpu.dma_semaphore, #tpu.memory_space<semaphore_mem>>) src(%arg4 : memref<640x128xf32, #tpu.memory_space<hbm>>) dst(%dma_wait3A_31 : memref<640x128xf32, #tpu.memory_space<vmem_shared>>)
      tpu.yield
    }) : () -> ()
    %barrier3A = arith.constant 0 : index
    tpu.barrier barrier_id(%barrier3A)
    %mul3A_3 = arith.constant 10000 : i32
    %mul3A_4 = arith.muli %arg1, %mul3A_3 : i32
    %add3A = arith.constant 0 : i32
    %add3A_5 = arith.addi %mul3A_4, %add3A : i32
    %dma_start3A = tpu.memref_slice %arg3[%add3A_5] : memref<160000xi32, #tpu.memory_space<hbm>> -> memref<128xi32, #tpu.memory_space<hbm>>
    %dma_start3A_6 = tpu.memref_slice %arg3[%add3A_5] : memref<160000xi32, #tpu.memory_space<hbm>> -> memref<128xi32, #tpu.memory_space<hbm>>
    tpu.enqueue_dma source(%dma_start3A_6 : memref<128xi32, #tpu.memory_space<hbm>>) target(%arg6 : memref<128xi32, #tpu.memory_space<vmem>>) target_semaphore(%arg13 : memref<!tpu.dma_semaphore, #tpu.memory_space<semaphore_mem>>)
    %dma_start3A_7 = tpu.memref_slice %arg2[%add3A_5, %mul3A_0] : memref<160000x256xf32, #tpu.memory_space<hbm>> -> memref<128x128xf32, #tpu.memory_space<hbm>>
    %dma_start3A_8 = tpu.memref_slice %arg2[%add3A_5, %mul3A_0] : memref<160000x256xf32, #tpu.memory_space<hbm>> -> memref<128x128xf32, #tpu.memory_space<hbm>>
    tpu.enqueue_dma source(%dma_start3A_8 : memref<128x128xf32, #tpu.memory_space<hbm>>) target(%arg8 : memref<128x128xf32, #tpu.memory_space<vmem>>) target_semaphore(%arg15 : memref<!tpu.dma_semaphore, #tpu.memory_space<semaphore_mem>>)
    %add3A_9 = arith.constant 128 : i32
    %add3A_10 = arith.addi %mul3A_4, %add3A_9 : i32
    %dma_start3A_11 = tpu.memref_slice %arg3[%add3A_10] : memref<160000xi32, #tpu.memory_space<hbm>> -> memref<128xi32, #tpu.memory_space<hbm>>
    %dma_start3A_12 = tpu.memref_slice %arg3[%add3A_10] : memref<160000xi32, #tpu.memory_space<hbm>> -> memref<128xi32, #tpu.memory_space<hbm>>
    tpu.enqueue_dma source(%dma_start3A_12 : memref<128xi32, #tpu.memory_space<hbm>>) target(%arg7 : memref<128xi32, #tpu.memory_space<vmem>>) target_semaphore(%arg14 : memref<!tpu.dma_semaphore, #tpu.memory_space<semaphore_mem>>)
    %dma_start3A_13 = tpu.memref_slice %arg2[%add3A_10, %mul3A_0] : memref<160000x256xf32, #tpu.memory_space<hbm>> -> memref<128x128xf32, #tpu.memory_space<hbm>>
    %dma_start3A_14 = tpu.memref_slice %arg2[%add3A_10, %mul3A_0] : memref<160000x256xf32, #tpu.memory_space<hbm>> -> memref<128x128xf32, #tpu.memory_space<hbm>>
    tpu.enqueue_dma source(%dma_start3A_14 : memref<128x128xf32, #tpu.memory_space<hbm>>) target(%arg9 : memref<128x128xf32, #tpu.memory_space<vmem>>) target_semaphore(%arg16 : memref<!tpu.dma_semaphore, #tpu.memory_space<semaphore_mem>>)
    %scan3A = arith.constant 0 : i32
    %scan3A_15 = arith.constant 0 : i32
    %scan3A_16 = arith.constant 39 : i32
    %scan3A_17 = arith.addi %scan3A_15, %scan3A_16 : i32
    %scan3A_18 = arith.constant 1 : i32
    scf.for %scan3A_29 = %scan3A_15 to %scan3A_17 step %scan3A_18  : i32 {
      %mul3A_30 = arith.constant 2 : i32
      %mul3A_31 = arith.muli %mul3A_30, %scan3A_29 : i32
      %add3A_32 = arith.constant 0 : i32
      %add3A_33 = arith.addi %mul3A_31, %add3A_32 : i32
      %dma_wait3A = arith.constant 0 : i32
      %dma_wait3A_34 = tpu.memref_slice %arg3[%dma_wait3A] : memref<160000xi32, #tpu.memory_space<hbm>> -> memref<128xi32, #tpu.memory_space<hbm>>
      %dma_wait3A_35 = arith.constant 0 : i32
      %dma_wait3A_36 = tpu.memref_slice %arg3[%dma_wait3A_35] : memref<160000xi32, #tpu.memory_space<hbm>> -> memref<128xi32, #tpu.memory_space<hbm>>
      tpu.wait_dma2 semaphore(%arg13 : memref<!tpu.dma_semaphore, #tpu.memory_space<semaphore_mem>>) src(%dma_wait3A_36 : memref<128xi32, #tpu.memory_space<hbm>>) dst(%arg6 : memref<128xi32, #tpu.memory_space<vmem>>)
      %dma_wait3A_37 = arith.constant 0 : i32
      %dma_wait3A_38 = tpu.memref_slice %arg2[%dma_wait3A_37, %mul3A_0] : memref<160000x256xf32, #tpu.memory_space<hbm>> -> memref<128x128xf32, #tpu.memory_space<hbm>>
      %dma_wait3A_39 = arith.constant 0 : i32
      %dma_wait3A_40 = tpu.memref_slice %arg2[%dma_wait3A_39, %mul3A_0] : memref<160000x256xf32, #tpu.memory_space<hbm>> -> memref<128x128xf32, #tpu.memory_space<hbm>>
      tpu.wait_dma2 semaphore(%arg15 : memref<!tpu.dma_semaphore, #tpu.memory_space<semaphore_mem>>) src(%dma_wait3A_40 : memref<128x128xf32, #tpu.memory_space<hbm>>) dst(%arg8 : memref<128x128xf32, #tpu.memory_space<vmem>>)
      "tpu.region"() ({
        %run_scoped3A = tpu.sem_alloc : memref<!tpu.dma_semaphore, #tpu.memory_space<semaphore_mem>>
        %dma_start3A_67 = arith.constant 0 : i32
        %dma_start3A_68 = arith.constant 0 : i32
        %dma_start3A_69 = tpu.memref_slice %arg12[%dma_start3A_67, %dma_start3A_68] : memref<10240x128xf32, #tpu.memory_space<vmem_shared>> -> memref<10240x128xf32, #tpu.memory_space<vmem_shared>>
        tpu.enqueue_indirect_dma source(%arg8 : memref<128x128xf32, #tpu.memory_space<vmem>>) target(%dma_start3A_69 : memref<10240x128xf32, #tpu.memory_space<vmem_shared>>) offsets(%arg6 : memref<128xi32, #tpu.memory_space<vmem>>) semaphore(%run_scoped3A : memref<!tpu.dma_semaphore, #tpu.memory_space<semaphore_mem>>) {add = true}
        %dma_wait3A_70 = arith.constant 0 : i32
        %dma_wait3A_71 = arith.constant 0 : i32
        %dma_wait3A_72 = tpu.memref_slice %arg12[%dma_wait3A_70, %dma_wait3A_71] : memref<10240x128xf32, #tpu.memory_space<vmem_shared>> -> memref<10240x128xf32, #tpu.memory_space<vmem_shared>>
        tpu.wait_indirect_dma semaphore(%run_scoped3A : memref<!tpu.dma_semaphore, #tpu.memory_space<semaphore_mem>>) src(%arg8 : memref<128x128xf32, #tpu.memory_space<vmem>>) dst(%dma_wait3A_72 : memref<10240x128xf32, #tpu.memory_space<vmem_shared>>)
        tpu.yield
      }) : () -> ()
      %add3A_41 = arith.constant 2 : i32
      %add3A_42 = arith.addi %add3A_33, %add3A_41 : i32
      %lt3A_43 = arith.constant 78 : i32
      %lt3A_44 = arith.cmpi slt, %add3A_42, %lt3A_43 : i32
      %convert_element_type3A_45 = arith.extui %lt3A_44 : i1 to i32
      %cond3A_46 = arith.constant 0 : i32
      %cond3A_47 = arith.cmpi ne, %convert_element_type3A_45, %cond3A_46 : i32
      scf.if %cond3A_47 {
        %add3A_67 = arith.constant 2 : i32
        %add3A_68 = arith.addi %add3A_33, %add3A_67 : i32
        %mul3A_69 = arith.constant 128 : i32
        %mul3A_70 = arith.muli %add3A_68, %mul3A_69 : i32
        %add3A_71 = arith.addi %mul3A_4, %mul3A_70 : i32
        %dma_start3A_72 = tpu.memref_slice %arg3[%add3A_71] : memref<160000xi32, #tpu.memory_space<hbm>> -> memref<128xi32, #tpu.memory_space<hbm>>
        %dma_start3A_73 = tpu.memref_slice %arg3[%add3A_71] : memref<160000xi32, #tpu.memory_space<hbm>> -> memref<128xi32, #tpu.memory_space<hbm>>
        tpu.enqueue_dma source(%dma_start3A_73 : memref<128xi32, #tpu.memory_space<hbm>>) target(%arg6 : memref<128xi32, #tpu.memory_space<vmem>>) target_semaphore(%arg13 : memref<!tpu.dma_semaphore, #tpu.memory_space<semaphore_mem>>)
        %dma_start3A_74 = tpu.memref_slice %arg2[%add3A_71, %mul3A_0] : memref<160000x256xf32, #tpu.memory_space<hbm>> -> memref<128x128xf32, #tpu.memory_space<hbm>>
        %dma_start3A_75 = tpu.memref_slice %arg2[%add3A_71, %mul3A_0] : memref<160000x256xf32, #tpu.memory_space<hbm>> -> memref<128x128xf32, #tpu.memory_space<hbm>>
        tpu.enqueue_dma source(%dma_start3A_75 : memref<128x128xf32, #tpu.memory_space<hbm>>) target(%arg8 : memref<128x128xf32, #tpu.memory_space<vmem>>) target_semaphore(%arg15 : memref<!tpu.dma_semaphore, #tpu.memory_space<semaphore_mem>>)
      } else {
      }
      %mul3A_48 = arith.constant 2 : i32
      %mul3A_49 = arith.muli %mul3A_48, %scan3A_29 : i32
      %add3A_50 = arith.constant 1 : i32
      %add3A_51 = arith.addi %mul3A_49, %add3A_50 : i32
      %dma_wait3A_52 = arith.constant 0 : i32
      %dma_wait3A_53 = tpu.memref_slice %arg3[%dma_wait3A_52] : memref<160000xi32, #tpu.memory_space<hbm>> -> memref<128xi32, #tpu.memory_space<hbm>>
      %dma_wait3A_54 = arith.constant 0 : i32
      %dma_wait3A_55 = tpu.memref_slice %arg3[%dma_wait3A_54] : memref<160000xi32, #tpu.memory_space<hbm>> -> memref<128xi32, #tpu.memory_space<hbm>>
      tpu.wait_dma2 semaphore(%arg14 : memref<!tpu.dma_semaphore, #tpu.memory_space<semaphore_mem>>) src(%dma_wait3A_55 : memref<128xi32, #tpu.memory_space<hbm>>) dst(%arg7 : memref<128xi32, #tpu.memory_space<vmem>>)
      %dma_wait3A_56 = arith.constant 0 : i32
      %dma_wait3A_57 = tpu.memref_slice %arg2[%dma_wait3A_56, %mul3A_0] : memref<160000x256xf32, #tpu.memory_space<hbm>> -> memref<128x128xf32, #tpu.memory_space<hbm>>
      %dma_wait3A_58 = arith.constant 0 : i32
      %dma_wait3A_59 = tpu.memref_slice %arg2[%dma_wait3A_58, %mul3A_0] : memref<160000x256xf32, #tpu.memory_space<hbm>> -> memref<128x128xf32, #tpu.memory_space<hbm>>
      tpu.wait_dma2 semaphore(%arg16 : memref<!tpu.dma_semaphore, #tpu.memory_space<semaphore_mem>>) src(%dma_wait3A_59 : memref<128x128xf32, #tpu.memory_space<hbm>>) dst(%arg9 : memref<128x128xf32, #tpu.memory_space<vmem>>)
      "tpu.region"() ({
        %run_scoped3A = tpu.sem_alloc : memref<!tpu.dma_semaphore, #tpu.memory_space<semaphore_mem>>
        %dma_start3A_67 = arith.constant 0 : i32
        %dma_start3A_68 = arith.constant 0 : i32
        %dma_start3A_69 = tpu.memref_slice %arg12[%dma_start3A_67, %dma_start3A_68] : memref<10240x128xf32, #tpu.memory_space<vmem_shared>> -> memref<10240x128xf32, #tpu.memory_space<vmem_shared>>
        tpu.enqueue_indirect_dma source(%arg9 : memref<128x128xf32, #tpu.memory_space<vmem>>) target(%dma_start3A_69 : memref<10240x128xf32, #tpu.memory_space<vmem_shared>>) offsets(%arg7 : memref<128xi32, #tpu.memory_space<vmem>>) semaphore(%run_scoped3A : memref<!tpu.dma_semaphore, #tpu.memory_space<semaphore_mem>>) {add = true}
        %dma_wait3A_70 = arith.constant 0 : i32
        %dma_wait3A_71 = arith.constant 0 : i32
        %dma_wait3A_72 = tpu.memref_slice %arg12[%dma_wait3A_70, %dma_wait3A_71] : memref<10240x128xf32, #tpu.memory_space<vmem_shared>> -> memref<10240x128xf32, #tpu.memory_space<vmem_shared>>
        tpu.wait_indirect_dma semaphore(%run_scoped3A : memref<!tpu.dma_semaphore, #tpu.memory_space<semaphore_mem>>) src(%arg9 : memref<128x128xf32, #tpu.memory_space<vmem>>) dst(%dma_wait3A_72 : memref<10240x128xf32, #tpu.memory_space<vmem_shared>>)
        tpu.yield
      }) : () -> ()
      %add3A_60 = arith.constant 2 : i32
      %add3A_61 = arith.addi %add3A_51, %add3A_60 : i32
      %lt3A_62 = arith.constant 78 : i32
      %lt3A_63 = arith.cmpi slt, %add3A_61, %lt3A_62 : i32
      %convert_element_type3A_64 = arith.extui %lt3A_63 : i1 to i32
      %cond3A_65 = arith.constant 0 : i32
      %cond3A_66 = arith.cmpi ne, %convert_element_type3A_64, %cond3A_65 : i32
      scf.if %cond3A_66 {
        %add3A_67 = arith.constant 2 : i32
        %add3A_68 = arith.addi %add3A_51, %add3A_67 : i32
        %mul3A_69 = arith.constant 128 : i32
        %mul3A_70 = arith.muli %add3A_68, %mul3A_69 : i32
        %add3A_71 = arith.addi %mul3A_4, %mul3A_70 : i32
        %dma_start3A_72 = tpu.memref_slice %arg3[%add3A_71] : memref<160000xi32, #tpu.memory_space<hbm>> -> memref<128xi32, #tpu.memory_space<hbm>>
        %dma_start3A_73 = tpu.memref_slice %arg3[%add3A_71] : memref<160000xi32, #tpu.memory_space<hbm>> -> memref<128xi32, #tpu.memory_space<hbm>>
        tpu.enqueue_dma source(%dma_start3A_73 : memref<128xi32, #tpu.memory_space<hbm>>) target(%arg7 : memref<128xi32, #tpu.memory_space<vmem>>) target_semaphore(%arg14 : memref<!tpu.dma_semaphore, #tpu.memory_space<semaphore_mem>>)
        %dma_start3A_74 = tpu.memref_slice %arg2[%add3A_71, %mul3A_0] : memref<160000x256xf32, #tpu.memory_space<hbm>> -> memref<128x128xf32, #tpu.memory_space<hbm>>
        %dma_start3A_75 = tpu.memref_slice %arg2[%add3A_71, %mul3A_0] : memref<160000x256xf32, #tpu.memory_space<hbm>> -> memref<128x128xf32, #tpu.memory_space<hbm>>
        tpu.enqueue_dma source(%dma_start3A_75 : memref<128x128xf32, #tpu.memory_space<hbm>>) target(%arg9 : memref<128x128xf32, #tpu.memory_space<vmem>>) target_semaphore(%arg16 : memref<!tpu.dma_semaphore, #tpu.memory_space<semaphore_mem>>)
      } else {
      }
    }
    %scan3A_19 = arith.constant 39 : i32
    %add3A_20 = arith.constant 9984 : i32
    %add3A_21 = arith.addi %mul3A_4, %add3A_20 : i32
    "tpu.region"() ({
      %run_scoped3A = tpu.sem_alloc : memref<!tpu.dma_semaphore, #tpu.memory_space<semaphore_mem>>
      %dma_start3A_29 = tpu.memref_slice %arg3[%add3A_21] : memref<160000xi32, #tpu.memory_space<hbm>> -> memref<16xi32, #tpu.memory_space<hbm>>
      %dma_start3A_30 = tpu.memref_slice %arg3[%add3A_21] : memref<160000xi32, #tpu.memory_space<hbm>> -> memref<16xi32, #tpu.memory_space<hbm>>
      tpu.enqueue_dma source(%dma_start3A_30 : memref<16xi32, #tpu.memory_space<hbm>>) target(%arg10 : memref<16xi32, #tpu.memory_space<vmem>>) target_semaphore(%run_scoped3A : memref<!tpu.dma_semaphore, #tpu.memory_space<semaphore_mem>>)
      %dma_wait3A = tpu.memref_slice %arg3[%add3A_21] : memref<160000xi32, #tpu.memory_space<hbm>> -> memref<16xi32, #tpu.memory_space<hbm>>
      %dma_wait3A_31 = tpu.memref_slice %arg3[%add3A_21] : memref<160000xi32, #tpu.memory_space<hbm>> -> memref<16xi32, #tpu.memory_space<hbm>>
      tpu.wait_dma2 semaphore(%run_scoped3A : memref<!tpu.dma_semaphore, #tpu.memory_space<semaphore_mem>>) src(%dma_wait3A_31 : memref<16xi32, #tpu.memory_space<hbm>>) dst(%arg10 : memref<16xi32, #tpu.memory_space<vmem>>)
      tpu.yield
    }) : () -> ()
    "tpu.region"() ({
      %run_scoped3A = tpu.sem_alloc : memref<!tpu.dma_semaphore, #tpu.memory_space<semaphore_mem>>
      %dma_start3A_29 = tpu.memref_slice %arg2[%add3A_21, %mul3A_0] : memref<160000x256xf32, #tpu.memory_space<hbm>> -> memref<16x128xf32, #tpu.memory_space<hbm>>
      %dma_start3A_30 = tpu.memref_slice %arg2[%add3A_21, %mul3A_0] : memref<160000x256xf32, #tpu.memory_space<hbm>> -> memref<16x128xf32, #tpu.memory_space<hbm>>
      tpu.enqueue_dma source(%dma_start3A_30 : memref<16x128xf32, #tpu.memory_space<hbm>>) target(%arg11 : memref<16x128xf32, #tpu.memory_space<vmem>>) target_semaphore(%run_scoped3A : memref<!tpu.dma_semaphore, #tpu.memory_space<semaphore_mem>>)
      %dma_wait3A = tpu.memref_slice %arg2[%add3A_21, %mul3A_0] : memref<160000x256xf32, #tpu.memory_space<hbm>> -> memref<16x128xf32, #tpu.memory_space<hbm>>
      %dma_wait3A_31 = tpu.memref_slice %arg2[%add3A_21, %mul3A_0] : memref<160000x256xf32, #tpu.memory_space<hbm>> -> memref<16x128xf32, #tpu.memory_space<hbm>>
      tpu.wait_dma2 semaphore(%run_scoped3A : memref<!tpu.dma_semaphore, #tpu.memory_space<semaphore_mem>>) src(%dma_wait3A_31 : memref<16x128xf32, #tpu.memory_space<hbm>>) dst(%arg11 : memref<16x128xf32, #tpu.memory_space<vmem>>)
      tpu.yield
    }) : () -> ()
    "tpu.region"() ({
      %run_scoped3A = tpu.sem_alloc : memref<!tpu.dma_semaphore, #tpu.memory_space<semaphore_mem>>
      %dma_start3A_29 = arith.constant 0 : i32
      %dma_start3A_30 = arith.constant 0 : i32
      %dma_start3A_31 = tpu.memref_slice %arg12[%dma_start3A_29, %dma_start3A_30] : memref<10240x128xf32, #tpu.memory_space<vmem_shared>> -> memref<10240x128xf32, #tpu.memory_space<vmem_shared>>
      tpu.enqueue_indirect_dma source(%arg11 : memref<16x128xf32, #tpu.memory_space<vmem>>) target(%dma_start3A_31 : memref<10240x128xf32, #tpu.memory_space<vmem_shared>>) offsets(%arg10 : memref<16xi32, #tpu.memory_space<vmem>>) semaphore(%run_scoped3A : memref<!tpu.dma_semaphore, #tpu.memory_space<semaphore_mem>>) {add = true}
      %dma_wait3A = arith.constant 0 : i32
      %dma_wait3A_32 = arith.constant 0 : i32
      %dma_wait3A_33 = tpu.memref_slice %arg12[%dma_wait3A, %dma_wait3A_32] : memref<10240x128xf32, #tpu.memory_space<vmem_shared>> -> memref<10240x128xf32, #tpu.memory_space<vmem_shared>>
      tpu.wait_indirect_dma semaphore(%run_scoped3A : memref<!tpu.dma_semaphore, #tpu.memory_space<semaphore_mem>>) src(%arg11 : memref<16x128xf32, #tpu.memory_space<vmem>>) dst(%dma_wait3A_33 : memref<10240x128xf32, #tpu.memory_space<vmem_shared>>)
      tpu.yield
    }) : () -> ()
    %barrier3A_22 = arith.constant 0 : index
    tpu.barrier barrier_id(%barrier3A_22)
    %lt3A = arith.constant 15 : i32
    %lt3A_23 = arith.cmpi slt, %arg1, %lt3A : i32
    %convert_element_type3A = arith.extui %lt3A_23 : i1 to i32
    %cond3A = arith.constant 0 : i32
    %cond3A_24 = arith.cmpi ne, %convert_element_type3A, %cond3A : i32
    scf.if %cond3A_24 {
      %mul3A_29 = arith.constant 640 : i32
      %mul3A_30 = arith.muli %arg1, %mul3A_29 : i32
      %mul3A_31 = arith.constant 640 : i32
      %mul3A_32 = arith.muli %arg1, %mul3A_31 : i32
      "tpu.region"() ({
        %run_scoped3A = tpu.sem_alloc : memref<!tpu.dma_semaphore, #tpu.memory_space<semaphore_mem>>
        %dma_start3A_33 = tpu.memref_slice %arg5[%mul3A_32, %mul3A_0] : memref<10000x256xf32, #tpu.memory_space<hbm>> -> memref<640x128xf32, #tpu.memory_space<hbm>>
        %dma_start3A_34 = arith.constant 0 : i32
        %dma_start3A_35 = tpu.memref_slice %arg12[%mul3A_30, %dma_start3A_34] : memref<10240x128xf32, #tpu.memory_space<vmem_shared>> -> memref<640x128xf32, #tpu.memory_space<vmem_shared>>
        tpu.enqueue_dma source(%dma_start3A_35 : memref<640x128xf32, #tpu.memory_space<vmem_shared>>) target(%dma_start3A_33 : memref<640x128xf32, #tpu.memory_space<hbm>>) target_semaphore(%run_scoped3A : memref<!tpu.dma_semaphore, #tpu.memory_space<semaphore_mem>>)
        %dma_wait3A = tpu.memref_slice %arg5[%mul3A_32, %mul3A_0] : memref<10000x256xf32, #tpu.memory_space<hbm>> -> memref<640x128xf32, #tpu.memory_space<hbm>>
        %dma_wait3A_36 = arith.constant 0 : i32
        %dma_wait3A_37 = tpu.memref_slice %arg12[%mul3A_30, %dma_wait3A_36] : memref<10240x128xf32, #tpu.memory_space<vmem_shared>> -> memref<640x128xf32, #tpu.memory_space<vmem_shared>>
        tpu.wait_dma2 semaphore(%run_scoped3A : memref<!tpu.dma_semaphore, #tpu.memory_space<semaphore_mem>>) src(%dma_wait3A_37 : memref<640x128xf32, #tpu.memory_space<vmem_shared>>) dst(%dma_wait3A : memref<640x128xf32, #tpu.memory_space<hbm>>)
        tpu.yield
      }) : () -> ()
    } else {
    }
    %eq3A = arith.constant 15 : i32
    %eq3A_25 = arith.cmpi eq, %arg1, %eq3A : i32
    %convert_element_type3A_26 = arith.extui %eq3A_25 : i1 to i32
    %cond3A_27 = arith.constant 0 : i32
    %cond3A_28 = arith.cmpi ne, %convert_element_type3A_26, %cond3A_27 : i32
    scf.if %cond3A_28 {
      "tpu.region"() ({
        %run_scoped3A = tpu.sem_alloc : memref<!tpu.dma_semaphore, #tpu.memory_space<semaphore_mem>>
        %dma_start3A_29 = arith.constant 9600 : i32
        %dma_start3A_30 = tpu.memref_slice %arg5[%dma_start3A_29, %mul3A_0] : memref<10000x256xf32, #tpu.memory_space<hbm>> -> memref<400x128xf32, #tpu.memory_space<hbm>>
        %dma_start3A_31 = arith.constant 9600 : i32
        %dma_start3A_32 = arith.constant 0 : i32
        %dma_start3A_33 = tpu.memref_slice %arg12[%dma_start3A_31, %dma_start3A_32] : memref<10240x128xf32, #tpu.memory_space<vmem_shared>> -> memref<400x128xf32, #tpu.memory_space<vmem_shared>>
        tpu.enqueue_dma source(%dma_start3A_33 : memref<400x128xf32, #tpu.memory_space<vmem_shared>>) target(%dma_start3A_30 : memref<400x128xf32, #tpu.memory_space<hbm>>) target_semaphore(%run_scoped3A : memref<!tpu.dma_semaphore, #tpu.memory_space<semaphore_mem>>)
        %dma_wait3A = arith.constant 9600 : i32
        %dma_wait3A_34 = tpu.memref_slice %arg5[%dma_wait3A, %mul3A_0] : memref<10000x256xf32, #tpu.memory_space<hbm>> -> memref<400x128xf32, #tpu.memory_space<hbm>>
        %dma_wait3A_35 = arith.constant 9600 : i32
        %dma_wait3A_36 = arith.constant 0 : i32
        %dma_wait3A_37 = tpu.memref_slice %arg12[%dma_wait3A_35, %dma_wait3A_36] : memref<10240x128xf32, #tpu.memory_space<vmem_shared>> -> memref<400x128xf32, #tpu.memory_space<vmem_shared>>
        tpu.wait_dma2 semaphore(%run_scoped3A : memref<!tpu.dma_semaphore, #tpu.memory_space<semaphore_mem>>) src(%dma_wait3A_37 : memref<400x128xf32, #tpu.memory_space<vmem_shared>>) dst(%dma_wait3A_34 : memref<400x128xf32, #tpu.memory_space<hbm>>)
        tpu.yield
      }) : () -> ()
    } else {
    }
    return
  }
}

module attributes {stable_mosaic.version = 14 : i64} {
  func.func @_edge_mlp_body(%arg0: i32, %arg1: memref<6400x32xf32, #tpu.memory_space<vmem>>, %arg2: memref<1x50x128xf32, #tpu.memory_space<vmem>>, %arg3: memref<32x64xbf16, #tpu.memory_space<vmem>>, %arg4: memref<1x64xf32, #tpu.memory_space<vmem>>, %arg5: memref<64x128xbf16, #tpu.memory_space<vmem>>, %arg6: memref<1x128xf32, #tpu.memory_space<vmem>>, %arg7: memref<128x192xbf16, #tpu.memory_space<vmem>>, %arg8: memref<1x192xf32, #tpu.memory_space<vmem>>, %arg9: memref<6400x256xf32, #tpu.memory_space<vmem>>) attributes {dimension_semantics = [#tpu.dimension_semantics<arbitrary>], iteration_bounds = array<i64: 25>, scalar_prefetch = 0 : i64, scratch_operands = 0 : i64, tpu.core_type = #tpu.core_type<tc>, window_params = [{transform_indices = @transform_0, window_bounds = array<i64: 6400, 32>}, {transform_indices = @transform_1, window_bounds = array<i64: 1, 50, 128>}, {pipeline_mode = #tpu.pipeline_mode<synchronous>, transform_indices = @transform_2, window_bounds = array<i64: 32, 64>}, {pipeline_mode = #tpu.pipeline_mode<synchronous>, transform_indices = @transform_3, window_bounds = array<i64: 1, 64>}, {pipeline_mode = #tpu.pipeline_mode<synchronous>, transform_indices = @transform_4, window_bounds = array<i64: 64, 128>}, {pipeline_mode = #tpu.pipeline_mode<synchronous>, transform_indices = @transform_5, window_bounds = array<i64: 1, 128>}, {pipeline_mode = #tpu.pipeline_mode<synchronous>, transform_indices = @transform_6, window_bounds = array<i64: 128, 192>}, {pipeline_mode = #tpu.pipeline_mode<synchronous>, transform_indices = @transform_7, window_bounds = array<i64: 1, 192>}, {transform_indices = @transform_8, window_bounds = array<i64: 6400, 256>}]} {
    %get3A = arith.constant 0 : index
    %get3A_0 = arith.constant 0 : index
    %get3A_1 = vector.load %arg1[%get3A, %get3A_0] : memref<6400x32xf32, #tpu.memory_space<vmem>>, vector<6400x32xf32>
    %convert_element_type3A = arith.truncf %get3A_1 : vector<6400x32xf32> to vector<6400x32xbf16>
    %get3A_2 = arith.constant 0 : index
    %get3A_3 = arith.constant 0 : index
    %get3A_4 = vector.load %arg3[%get3A_2, %get3A_3] : memref<32x64xbf16, #tpu.memory_space<vmem>>, vector<32x64xbf16>
    %dot_general3A = arith.constant dense<0.000000e+00> : vector<6400x64xf32>
    %dot_general3A_5 = tpu.matmul %convert_element_type3A, %get3A_4, %dot_general3A {dimension_numbers = #tpu.dot_dimension_numbers<[1], [0], [0], [1], [0, 0, 1, 1], [], []>, transpose_lhs_hint = false} : vector<6400x32xbf16>, vector<32x64xbf16>, vector<6400x64xf32> -> vector<6400x64xf32>
    %get3A_6 = arith.constant 0 : index
    %get3A_7 = arith.constant 0 : index
    %get3A_8 = vector.load %arg4[%get3A_6, %get3A_7] : memref<1x64xf32, #tpu.memory_space<vmem>>, vector<1x64xf32>
    %add3A = vector.broadcast %get3A_8 : vector<1x64xf32> to vector<6400x64xf32>
    %add3A_9 = arith.addf %dot_general3A_5, %add3A : vector<6400x64xf32>
    %logistic3A = arith.negf %add3A_9 : vector<6400x64xf32>
    %logistic3A_10 = math.exp %logistic3A : vector<6400x64xf32>
    %logistic3A_11 = arith.constant 1.000000e+00 : f32
    %logistic3A_12 = vector.broadcast %logistic3A_11 : f32 to vector<6400x64xf32>
    %logistic3A_13 = arith.addf %logistic3A_12, %logistic3A_10 : vector<6400x64xf32>
    %logistic3A_14 = arith.divf %logistic3A_12, %logistic3A_13 : vector<6400x64xf32>
    %mul3A = arith.mulf %add3A_9, %logistic3A_14 : vector<6400x64xf32>
    %convert_element_type3A_15 = arith.truncf %mul3A : vector<6400x64xf32> to vector<6400x64xbf16>
    %get3A_16 = arith.constant 0 : index
    %get3A_17 = arith.constant 0 : index
    %get3A_18 = vector.load %arg5[%get3A_16, %get3A_17] : memref<64x128xbf16, #tpu.memory_space<vmem>>, vector<64x128xbf16>
    %dot_general3A_19 = arith.constant dense<0.000000e+00> : vector<6400x128xf32>
    %dot_general3A_20 = tpu.matmul %convert_element_type3A_15, %get3A_18, %dot_general3A_19 {dimension_numbers = #tpu.dot_dimension_numbers<[1], [0], [0], [1], [0, 0, 1, 1], [], []>, transpose_lhs_hint = false} : vector<6400x64xbf16>, vector<64x128xbf16>, vector<6400x128xf32> -> vector<6400x128xf32>
    %get3A_21 = arith.constant 0 : index
    %get3A_22 = arith.constant 0 : index
    %get3A_23 = vector.load %arg6[%get3A_21, %get3A_22] : memref<1x128xf32, #tpu.memory_space<vmem>>, vector<1x128xf32>
    %add3A_24 = vector.broadcast %get3A_23 : vector<1x128xf32> to vector<6400x128xf32>
    %add3A_25 = arith.addf %dot_general3A_20, %add3A_24 : vector<6400x128xf32>
    %logistic3A_26 = arith.negf %add3A_25 : vector<6400x128xf32>
    %logistic3A_27 = math.exp %logistic3A_26 : vector<6400x128xf32>
    %logistic3A_28 = arith.constant 1.000000e+00 : f32
    %logistic3A_29 = vector.broadcast %logistic3A_28 : f32 to vector<6400x128xf32>
    %logistic3A_30 = arith.addf %logistic3A_29, %logistic3A_27 : vector<6400x128xf32>
    %logistic3A_31 = arith.divf %logistic3A_29, %logistic3A_30 : vector<6400x128xf32>
    %mul3A_32 = arith.mulf %add3A_25, %logistic3A_31 : vector<6400x128xf32>
    %convert_element_type3A_33 = arith.truncf %mul3A_32 : vector<6400x128xf32> to vector<6400x128xbf16>
    %get3A_34 = arith.constant 0 : index
    %get3A_35 = arith.constant 0 : index
    %get3A_36 = vector.load %arg7[%get3A_34, %get3A_35] : memref<128x192xbf16, #tpu.memory_space<vmem>>, vector<128x192xbf16>
    %dot_general3A_37 = arith.constant dense<0.000000e+00> : vector<6400x192xf32>
    %dot_general3A_38 = tpu.matmul %convert_element_type3A_33, %get3A_36, %dot_general3A_37 {dimension_numbers = #tpu.dot_dimension_numbers<[1], [0], [0], [1], [0, 0, 1, 1], [], []>, transpose_lhs_hint = false} : vector<6400x128xbf16>, vector<128x192xbf16>, vector<6400x192xf32> -> vector<6400x192xf32>
    %get3A_39 = arith.constant 0 : index
    %get3A_40 = arith.constant 0 : index
    %get3A_41 = vector.load %arg8[%get3A_39, %get3A_40] : memref<1x192xf32, #tpu.memory_space<vmem>>, vector<1x192xf32>
    %add3A_42 = vector.broadcast %get3A_41 : vector<1x192xf32> to vector<6400x192xf32>
    %add3A_43 = arith.addf %dot_general3A_38, %add3A_42 : vector<6400x192xf32>
    %logistic3A_44 = arith.negf %add3A_43 : vector<6400x192xf32>
    %logistic3A_45 = math.exp %logistic3A_44 : vector<6400x192xf32>
    %logistic3A_46 = arith.constant 1.000000e+00 : f32
    %logistic3A_47 = vector.broadcast %logistic3A_46 : f32 to vector<6400x192xf32>
    %logistic3A_48 = arith.addf %logistic3A_47, %logistic3A_45 : vector<6400x192xf32>
    %logistic3A_49 = arith.divf %logistic3A_47, %logistic3A_48 : vector<6400x192xf32>
    %mul3A_50 = arith.mulf %add3A_43, %logistic3A_49 : vector<6400x192xf32>
    %get3A_51 = arith.constant 0 : index
    %get3A_52 = arith.constant 0 : index
    %get3A_53 = arith.constant 0 : index
    %get3A_54 = vector.load %arg2[%get3A_51, %get3A_52, %get3A_53] : memref<1x50x128xf32, #tpu.memory_space<vmem>>, vector<1x50x128xf32>
    %get3A_55 = vector.shape_cast %get3A_54 : vector<1x50x128xf32> to vector<50x128xf32>
    %mul3A_56 = arith.constant 0.628318548 : f32
    %mul3A_57 = vector.broadcast %mul3A_56 : f32 to vector<50x128xf32>
    %mul3A_58 = arith.mulf %get3A_55, %mul3A_57 : vector<50x128xf32>
    %cos3A = math.cos %mul3A_58 : vector<50x128xf32>
    %add3A_59 = arith.constant 1.000000e+00 : f32
    %add3A_60 = vector.broadcast %add3A_59 : f32 to vector<50x128xf32>
    %add3A_61 = arith.addf %cos3A, %add3A_60 : vector<50x128xf32>
    %mul3A_62 = arith.constant 5.000000e-01 : f32
    %mul3A_63 = vector.broadcast %mul3A_62 : f32 to vector<50x128xf32>
    %mul3A_64 = arith.mulf %mul3A_63, %add3A_61 : vector<50x128xf32>
    %lt3A = arith.constant 5.000000e+00 : f32
    %lt3A_65 = vector.broadcast %lt3A : f32 to vector<50x128xf32>
    %lt3A_66 = arith.cmpf olt, %get3A_55, %lt3A_65 : vector<50x128xf32>
    %jit3A = arith.constant 0.000000e+00 : f32
    %broadcast_in_dim3A = vector.broadcast %jit3A : f32 to vector<50x128xf32>
    %select_n3A = arith.select %lt3A_66, %mul3A_64, %broadcast_in_dim3A : vector<50x128xi1>, vector<50x128xf32>
    %reshape3A = vector.shape_cast %mul3A_50 : vector<6400x192xf32> to vector<50x128x192xf32>
    %broadcast_in_dim3A_67 = vector.shape_cast %select_n3A : vector<50x128xf32> to vector<50x128x1xf32>
    %mul3A_68 = vector.broadcast %broadcast_in_dim3A_67 : vector<50x128x1xf32> to vector<50x128x192xf32>
    %mul3A_69 = arith.mulf %reshape3A, %mul3A_68 : vector<50x128x192xf32>
    %reshape3A_70 = vector.shape_cast %mul3A_69 : vector<50x128x192xf32> to vector<6400x192xf32>
    %broadcast_in_dim3A_71 = arith.constant 0.000000e+00 : f32
    %broadcast_in_dim3A_72 = vector.broadcast %broadcast_in_dim3A_71 : f32 to vector<6400x64xf32>
    %concatenate3A = tpu.concatenate %reshape3A_70, %broadcast_in_dim3A_72 in 1 : vector<6400x192xf32>, vector<6400x64xf32> -> vector<6400x256xf32>
    %swap3A = arith.constant 0 : index
    %swap3A_73 = arith.constant 0 : index
    %swap3A_74 = vector.load %arg9[%swap3A, %swap3A_73] : memref<6400x256xf32, #tpu.memory_space<vmem>>, vector<6400x256xf32>
    tpu.vector_store %arg9[%swap3A, %swap3A_73], %concatenate3A {strides = array<i32>} : memref<6400x256xf32, #tpu.memory_space<vmem>>, vector<6400x256xf32>,
    return
  }
  func.func @transform_0(%arg0: i32) -> (i32, i32) {
    %c0_i32 = arith.constant 0 : i32
    %c0_i32_0 = arith.constant 0 : i32
    return %arg0, %c0_i32 : i32, i32
  }
  func.func @transform_1(%arg0: i32) -> (i32, i32, i32) {
    %c0_i32 = arith.constant 0 : i32
    %c0_i32_0 = arith.constant 0 : i32
    %c0_i32_1 = arith.constant 0 : i32
    return %arg0, %c0_i32, %c0_i32_0 : i32, i32, i32
  }
  func.func @transform_2(%arg0: i32) -> (i32, i32) {
    %c0_i32 = arith.constant 0 : i32
    %c0_i32_0 = arith.constant 0 : i32
    %c0_i32_1 = arith.constant 0 : i32
    return %c0_i32, %c0_i32_0 : i32, i32
  }
  func.func @transform_3(%arg0: i32) -> (i32, i32) {
    %c0_i32 = arith.constant 0 : i32
    %c0_i32_0 = arith.constant 0 : i32
    %c0_i32_1 = arith.constant 0 : i32
    return %c0_i32, %c0_i32_0 : i32, i32
  }
  func.func @transform_4(%arg0: i32) -> (i32, i32) {
    %c0_i32 = arith.constant 0 : i32
    %c0_i32_0 = arith.constant 0 : i32
    %c0_i32_1 = arith.constant 0 : i32
    return %c0_i32, %c0_i32_0 : i32, i32
  }
  func.func @transform_5(%arg0: i32) -> (i32, i32) {
    %c0_i32 = arith.constant 0 : i32
    %c0_i32_0 = arith.constant 0 : i32
    %c0_i32_1 = arith.constant 0 : i32
    return %c0_i32, %c0_i32_0 : i32, i32
  }
  func.func @transform_6(%arg0: i32) -> (i32, i32) {
    %c0_i32 = arith.constant 0 : i32
    %c0_i32_0 = arith.constant 0 : i32
    %c0_i32_1 = arith.constant 0 : i32
    return %c0_i32, %c0_i32_0 : i32, i32
  }
  func.func @transform_7(%arg0: i32) -> (i32, i32) {
    %c0_i32 = arith.constant 0 : i32
    %c0_i32_0 = arith.constant 0 : i32
    %c0_i32_1 = arith.constant 0 : i32
    return %c0_i32, %c0_i32_0 : i32, i32
  }
  func.func @transform_8(%arg0: i32) -> (i32, i32) {
    %c0_i32 = arith.constant 0 : i32
    %c0_i32_0 = arith.constant 0 : i32
    return %arg0, %c0_i32 : i32, i32
  }
}

module attributes {stable_mosaic.version = 14 : i64} {
  func.func @_node_body(%arg0: i32, %arg1: memref<400x576xf32, #tpu.memory_space<vmem>>, %arg2: memref<400x256xf32, #tpu.memory_space<vmem>>, %arg3: memref<64x64xf32, #tpu.memory_space<vmem>>, %arg4: memref<64x64xf32, #tpu.memory_space<vmem>>, %arg5: memref<64x64xf32, #tpu.memory_space<vmem>>, %arg6: memref<64x64xf32, #tpu.memory_space<vmem>>, %arg7: memref<64x64xf32, #tpu.memory_space<vmem>>, %arg8: memref<64x64xf32, #tpu.memory_space<vmem>>, %arg9: memref<400x576xf32, #tpu.memory_space<vmem>>) attributes {dimension_semantics = [#tpu.dimension_semantics<arbitrary>], iteration_bounds = array<i64: 25>, scalar_prefetch = 0 : i64, scratch_operands = 0 : i64, tpu.core_type = #tpu.core_type<tc>, window_params = [{transform_indices = @transform_0, window_bounds = array<i64: 400, 576>}, {transform_indices = @transform_1, window_bounds = array<i64: 400, 256>}, {pipeline_mode = #tpu.pipeline_mode<synchronous>, transform_indices = @transform_2, window_bounds = array<i64: 64, 64>}, {pipeline_mode = #tpu.pipeline_mode<synchronous>, transform_indices = @transform_3, window_bounds = array<i64: 64, 64>}, {pipeline_mode = #tpu.pipeline_mode<synchronous>, transform_indices = @transform_4, window_bounds = array<i64: 64, 64>}, {pipeline_mode = #tpu.pipeline_mode<synchronous>, transform_indices = @transform_5, window_bounds = array<i64: 64, 64>}, {pipeline_mode = #tpu.pipeline_mode<synchronous>, transform_indices = @transform_6, window_bounds = array<i64: 64, 64>}, {pipeline_mode = #tpu.pipeline_mode<synchronous>, transform_indices = @transform_7, window_bounds = array<i64: 64, 64>}, {transform_indices = @transform_8, window_bounds = array<i64: 400, 576>}]} {
    %get3A = arith.constant 0 : index
    %get3A_0 = arith.constant 0 : index
    %get3A_1 = vector.load %arg1[%get3A, %get3A_0] : memref<400x576xf32, #tpu.memory_space<vmem>>, vector<400x576xf32>
    %slice3A = vector.extract_strided_slice %get3A_1 {offsets = [0, 0], sizes = [400, 64], strides = [1, 1]} : vector<400x576xf32> to vector<400x64xf32>
    %slice3A_2 = vector.extract_strided_slice %get3A_1 {offsets = [0, 64], sizes = [400, 64], strides = [1, 1]} : vector<400x576xf32> to vector<400x64xf32>
    %slice3A_3 = vector.extract_strided_slice %get3A_1 {offsets = [0, 128], sizes = [400, 64], strides = [1, 1]} : vector<400x576xf32> to vector<400x64xf32>
    %slice3A_4 = vector.extract_strided_slice %get3A_1 {offsets = [0, 192], sizes = [400, 64], strides = [1, 1]} : vector<400x576xf32> to vector<400x64xf32>
    %slice3A_5 = vector.extract_strided_slice %get3A_1 {offsets = [0, 256], sizes = [400, 64], strides = [1, 1]} : vector<400x576xf32> to vector<400x64xf32>
    %slice3A_6 = vector.extract_strided_slice %get3A_1 {offsets = [0, 320], sizes = [400, 64], strides = [1, 1]} : vector<400x576xf32> to vector<400x64xf32>
    %slice3A_7 = vector.extract_strided_slice %get3A_1 {offsets = [0, 384], sizes = [400, 64], strides = [1, 1]} : vector<400x576xf32> to vector<400x64xf32>
    %slice3A_8 = vector.extract_strided_slice %get3A_1 {offsets = [0, 448], sizes = [400, 64], strides = [1, 1]} : vector<400x576xf32> to vector<400x64xf32>
    %slice3A_9 = vector.extract_strided_slice %get3A_1 {offsets = [0, 512], sizes = [400, 64], strides = [1, 1]} : vector<400x576xf32> to vector<400x64xf32>
    %mul3A = arith.mulf %slice3A, %slice3A : vector<400x64xf32>
    %add3A = arith.constant 0.000000e+00 : f32
    %add3A_10 = vector.broadcast %add3A : f32 to vector<400x64xf32>
    %add3A_11 = arith.addf %add3A_10, %mul3A : vector<400x64xf32>
    %mul3A_12 = arith.mulf %slice3A_2, %slice3A_2 : vector<400x64xf32>
    %add3A_13 = arith.addf %add3A_11, %mul3A_12 : vector<400x64xf32>
    %mul3A_14 = arith.mulf %slice3A_3, %slice3A_3 : vector<400x64xf32>
    %add3A_15 = arith.addf %add3A_13, %mul3A_14 : vector<400x64xf32>
    %mul3A_16 = arith.mulf %slice3A_4, %slice3A_4 : vector<400x64xf32>
    %add3A_17 = arith.addf %add3A_15, %mul3A_16 : vector<400x64xf32>
    %mul3A_18 = arith.mulf %slice3A_5, %slice3A_5 : vector<400x64xf32>
    %add3A_19 = arith.addf %add3A_17, %mul3A_18 : vector<400x64xf32>
    %mul3A_20 = arith.mulf %slice3A_6, %slice3A_6 : vector<400x64xf32>
    %add3A_21 = arith.addf %add3A_19, %mul3A_20 : vector<400x64xf32>
    %mul3A_22 = arith.mulf %slice3A_7, %slice3A_7 : vector<400x64xf32>
    %add3A_23 = arith.addf %add3A_21, %mul3A_22 : vector<400x64xf32>
    %mul3A_24 = arith.mulf %slice3A_8, %slice3A_8 : vector<400x64xf32>
    %add3A_25 = arith.addf %add3A_23, %mul3A_24 : vector<400x64xf32>
    %mul3A_26 = arith.mulf %slice3A_9, %slice3A_9 : vector<400x64xf32>
    %add3A_27 = arith.addf %add3A_25, %mul3A_26 : vector<400x64xf32>
    %add3A_28 = arith.constant 1.000000e+00 : f32
    %add3A_29 = vector.broadcast %add3A_28 : f32 to vector<400x64xf32>
    %add3A_30 = arith.addf %add3A_29, %add3A_27 : vector<400x64xf32>
    %div3A = arith.constant 1.000000e+00 : f32
    %div3A_31 = vector.broadcast %div3A : f32 to vector<400x64xf32>
    %div3A_32 = arith.divf %div3A_31, %add3A_30 : vector<400x64xf32>
    %mul3A_33 = arith.mulf %slice3A, %div3A_32 : vector<400x64xf32>
    %mul3A_34 = arith.mulf %slice3A_2, %div3A_32 : vector<400x64xf32>
    %mul3A_35 = arith.mulf %slice3A_3, %div3A_32 : vector<400x64xf32>
    %mul3A_36 = arith.mulf %slice3A_4, %div3A_32 : vector<400x64xf32>
    %mul3A_37 = arith.mulf %slice3A_5, %div3A_32 : vector<400x64xf32>
    %mul3A_38 = arith.mulf %slice3A_6, %div3A_32 : vector<400x64xf32>
    %mul3A_39 = arith.mulf %slice3A_7, %div3A_32 : vector<400x64xf32>
    %mul3A_40 = arith.mulf %slice3A_8, %div3A_32 : vector<400x64xf32>
    %mul3A_41 = arith.mulf %slice3A_9, %div3A_32 : vector<400x64xf32>
    %add3A_42 = arith.addf %mul3A_33, %mul3A_37 : vector<400x64xf32>
    %add3A_43 = arith.addf %add3A_42, %mul3A_41 : vector<400x64xf32>
    %mul3A_44 = arith.constant 0.333333343 : f32
    %mul3A_45 = vector.broadcast %mul3A_44 : f32 to vector<400x64xf32>
    %mul3A_46 = arith.mulf %add3A_43, %mul3A_45 : vector<400x64xf32>
    %sub3A = arith.subf %mul3A_34, %mul3A_36 : vector<400x64xf32>
    %mul3A_47 = arith.constant 5.000000e-01 : f32
    %mul3A_48 = vector.broadcast %mul3A_47 : f32 to vector<400x64xf32>
    %mul3A_49 = arith.mulf %mul3A_48, %sub3A : vector<400x64xf32>
    %sub3A_50 = arith.subf %mul3A_35, %mul3A_39 : vector<400x64xf32>
    %mul3A_51 = arith.constant 5.000000e-01 : f32
    %mul3A_52 = vector.broadcast %mul3A_51 : f32 to vector<400x64xf32>
    %mul3A_53 = arith.mulf %mul3A_52, %sub3A_50 : vector<400x64xf32>
    %sub3A_54 = arith.subf %mul3A_38, %mul3A_40 : vector<400x64xf32>
    %mul3A_55 = arith.constant 5.000000e-01 : f32
    %mul3A_56 = vector.broadcast %mul3A_55 : f32 to vector<400x64xf32>
    %mul3A_57 = arith.mulf %mul3A_56, %sub3A_54 : vector<400x64xf32>
    %add3A_58 = arith.addf %mul3A_34, %mul3A_36 : vector<400x64xf32>
    %mul3A_59 = arith.constant 5.000000e-01 : f32
    %mul3A_60 = vector.broadcast %mul3A_59 : f32 to vector<400x64xf32>
    %mul3A_61 = arith.mulf %mul3A_60, %add3A_58 : vector<400x64xf32>
    %add3A_62 = arith.addf %mul3A_35, %mul3A_39 : vector<400x64xf32>
    %mul3A_63 = arith.constant 5.000000e-01 : f32
    %mul3A_64 = vector.broadcast %mul3A_63 : f32 to vector<400x64xf32>
    %mul3A_65 = arith.mulf %mul3A_64, %add3A_62 : vector<400x64xf32>
    %add3A_66 = arith.addf %mul3A_38, %mul3A_40 : vector<400x64xf32>
    %mul3A_67 = arith.constant 5.000000e-01 : f32
    %mul3A_68 = vector.broadcast %mul3A_67 : f32 to vector<400x64xf32>
    %mul3A_69 = arith.mulf %mul3A_68, %add3A_66 : vector<400x64xf32>
    %sub3A_70 = arith.subf %mul3A_33, %mul3A_46 : vector<400x64xf32>
    %sub3A_71 = arith.subf %mul3A_37, %mul3A_46 : vector<400x64xf32>
    %sub3A_72 = arith.subf %mul3A_41, %mul3A_46 : vector<400x64xf32>
    %get3A_73 = arith.constant 0 : index
    %get3A_74 = arith.constant 0 : index
    %get3A_75 = vector.load %arg3[%get3A_73, %get3A_74] : memref<64x64xf32, #tpu.memory_space<vmem>>, vector<64x64xf32>
    %get3A_76 = arith.constant 0 : index
    %get3A_77 = arith.constant 0 : index
    %get3A_78 = vector.load %arg4[%get3A_76, %get3A_77] : memref<64x64xf32, #tpu.memory_space<vmem>>, vector<64x64xf32>
    %get3A_79 = arith.constant 0 : index
    %get3A_80 = arith.constant 0 : index
    %get3A_81 = vector.load %arg5[%get3A_79, %get3A_80] : memref<64x64xf32, #tpu.memory_space<vmem>>, vector<64x64xf32>
    %dot_general3A = arith.constant dense<0.000000e+00> : vector<400x64xf32>
    %dot_general3A_82 = tpu.matmul %mul3A_46, %get3A_75, %dot_general3A {dimension_numbers = #tpu.dot_dimension_numbers<[1], [0], [0], [1], [0, 0, 1, 1], [], []>, transpose_lhs_hint = false} : vector<400x64xf32>, vector<64x64xf32>, vector<400x64xf32> -> vector<400x64xf32>
    %dot_general3A_83 = arith.constant dense<0.000000e+00> : vector<400x64xf32>
    %dot_general3A_84 = tpu.matmul %mul3A_49, %get3A_78, %dot_general3A_83 {dimension_numbers = #tpu.dot_dimension_numbers<[1], [0], [0], [1], [0, 0, 1, 1], [], []>, transpose_lhs_hint = false} : vector<400x64xf32>, vector<64x64xf32>, vector<400x64xf32> -> vector<400x64xf32>
    %dot_general3A_85 = arith.constant dense<0.000000e+00> : vector<400x64xf32>
    %dot_general3A_86 = tpu.matmul %mul3A_53, %get3A_78, %dot_general3A_85 {dimension_numbers = #tpu.dot_dimension_numbers<[1], [0], [0], [1], [0, 0, 1, 1], [], []>, transpose_lhs_hint = false} : vector<400x64xf32>, vector<64x64xf32>, vector<400x64xf32> -> vector<400x64xf32>
    %dot_general3A_87 = arith.constant dense<0.000000e+00> : vector<400x64xf32>
    %dot_general3A_88 = tpu.matmul %mul3A_57, %get3A_78, %dot_general3A_87 {dimension_numbers = #tpu.dot_dimension_numbers<[1], [0], [0], [1], [0, 0, 1, 1], [], []>, transpose_lhs_hint = false} : vector<400x64xf32>, vector<64x64xf32>, vector<400x64xf32> -> vector<400x64xf32>
    %dot_general3A_89 = arith.constant dense<0.000000e+00> : vector<400x64xf32>
    %dot_general3A_90 = tpu.matmul %sub3A_70, %get3A_81, %dot_general3A_89 {dimension_numbers = #tpu.dot_dimension_numbers<[1], [0], [0], [1], [0, 0, 1, 1], [], []>, transpose_lhs_hint = false} : vector<400x64xf32>, vector<64x64xf32>, vector<400x64xf32> -> vector<400x64xf32>
    %dot_general3A_91 = arith.constant dense<0.000000e+00> : vector<400x64xf32>
    %dot_general3A_92 = tpu.matmul %mul3A_61, %get3A_81, %dot_general3A_91 {dimension_numbers = #tpu.dot_dimension_numbers<[1], [0], [0], [1], [0, 0, 1, 1], [], []>, transpose_lhs_hint = false} : vector<400x64xf32>, vector<64x64xf32>, vector<400x64xf32> -> vector<400x64xf32>
    %dot_general3A_93 = arith.constant dense<0.000000e+00> : vector<400x64xf32>
    %dot_general3A_94 = tpu.matmul %mul3A_65, %get3A_81, %dot_general3A_93 {dimension_numbers = #tpu.dot_dimension_numbers<[1], [0], [0], [1], [0, 0, 1, 1], [], []>, transpose_lhs_hint = false} : vector<400x64xf32>, vector<64x64xf32>, vector<400x64xf32> -> vector<400x64xf32>
    %dot_general3A_95 = arith.constant dense<0.000000e+00> : vector<400x64xf32>
    %dot_general3A_96 = tpu.matmul %sub3A_71, %get3A_81, %dot_general3A_95 {dimension_numbers = #tpu.dot_dimension_numbers<[1], [0], [0], [1], [0, 0, 1, 1], [], []>, transpose_lhs_hint = false} : vector<400x64xf32>, vector<64x64xf32>, vector<400x64xf32> -> vector<400x64xf32>
    %dot_general3A_97 = arith.constant dense<0.000000e+00> : vector<400x64xf32>
    %dot_general3A_98 = tpu.matmul %mul3A_69, %get3A_81, %dot_general3A_97 {dimension_numbers = #tpu.dot_dimension_numbers<[1], [0], [0], [1], [0, 0, 1, 1], [], []>, transpose_lhs_hint = false} : vector<400x64xf32>, vector<64x64xf32>, vector<400x64xf32> -> vector<400x64xf32>
    %dot_general3A_99 = arith.constant dense<0.000000e+00> : vector<400x64xf32>
    %dot_general3A_100 = tpu.matmul %sub3A_72, %get3A_81, %dot_general3A_99 {dimension_numbers = #tpu.dot_dimension_numbers<[1], [0], [0], [1], [0, 0, 1, 1], [], []>, transpose_lhs_hint = false} : vector<400x64xf32>, vector<64x64xf32>, vector<400x64xf32> -> vector<400x64xf32>
    %add3A_101 = arith.addf %dot_general3A_82, %dot_general3A_90 : vector<400x64xf32>
    %add3A_102 = arith.addf %dot_general3A_84, %dot_general3A_92 : vector<400x64xf32>
    %add3A_103 = arith.addf %dot_general3A_86, %dot_general3A_94 : vector<400x64xf32>
    %sub3A_104 = arith.subf %dot_general3A_92, %dot_general3A_84 : vector<400x64xf32>
    %add3A_105 = arith.addf %dot_general3A_82, %dot_general3A_96 : vector<400x64xf32>
    %add3A_106 = arith.addf %dot_general3A_88, %dot_general3A_98 : vector<400x64xf32>
    %sub3A_107 = arith.subf %dot_general3A_94, %dot_general3A_86 : vector<400x64xf32>
    %sub3A_108 = arith.subf %dot_general3A_98, %dot_general3A_88 : vector<400x64xf32>
    %add3A_109 = arith.addf %dot_general3A_82, %dot_general3A_100 : vector<400x64xf32>
    %get3A_110 = arith.constant 0 : index
    %get3A_111 = arith.constant 0 : index
    %get3A_112 = vector.load %arg2[%get3A_110, %get3A_111] : memref<400x256xf32, #tpu.memory_space<vmem>>, vector<400x256xf32>
    %slice3A_113 = vector.extract_strided_slice %get3A_112 {offsets = [0, 0], sizes = [400, 64], strides = [1, 1]} : vector<400x256xf32> to vector<400x64xf32>
    %slice3A_114 = vector.extract_strided_slice %get3A_112 {offsets = [0, 64], sizes = [400, 64], strides = [1, 1]} : vector<400x256xf32> to vector<400x64xf32>
    %slice3A_115 = vector.extract_strided_slice %get3A_112 {offsets = [0, 128], sizes = [400, 64], strides = [1, 1]} : vector<400x256xf32> to vector<400x64xf32>
    %mul3A_116 = arith.mulf %dot_general3A_82, %slice3A_113 : vector<400x64xf32>
    %mul3A_117 = arith.mulf %dot_general3A_84, %slice3A_114 : vector<400x64xf32>
    %mul3A_118 = arith.mulf %dot_general3A_86, %slice3A_114 : vector<400x64xf32>
    %mul3A_119 = arith.mulf %dot_general3A_88, %slice3A_114 : vector<400x64xf32>
    %mul3A_120 = arith.mulf %dot_general3A_90, %slice3A_115 : vector<400x64xf32>
    %mul3A_121 = arith.mulf %dot_general3A_92, %slice3A_115 : vector<400x64xf32>
    %mul3A_122 = arith.mulf %dot_general3A_94, %slice3A_115 : vector<400x64xf32>
    %mul3A_123 = arith.mulf %dot_general3A_96, %slice3A_115 : vector<400x64xf32>
    %mul3A_124 = arith.mulf %dot_general3A_98, %slice3A_115 : vector<400x64xf32>
    %mul3A_125 = arith.mulf %dot_general3A_100, %slice3A_115 : vector<400x64xf32>
    %add3A_126 = arith.addf %mul3A_116, %mul3A_120 : vector<400x64xf32>
    %add3A_127 = arith.addf %mul3A_117, %mul3A_121 : vector<400x64xf32>
    %add3A_128 = arith.addf %mul3A_118, %mul3A_122 : vector<400x64xf32>
    %sub3A_129 = arith.subf %mul3A_121, %mul3A_117 : vector<400x64xf32>
    %add3A_130 = arith.addf %mul3A_116, %mul3A_123 : vector<400x64xf32>
    %add3A_131 = arith.addf %mul3A_119, %mul3A_124 : vector<400x64xf32>
    %sub3A_132 = arith.subf %mul3A_122, %mul3A_118 : vector<400x64xf32>
    %sub3A_133 = arith.subf %mul3A_124, %mul3A_119 : vector<400x64xf32>
    %add3A_134 = arith.addf %mul3A_116, %mul3A_125 : vector<400x64xf32>
    %mul3A_135 = arith.mulf %add3A_101, %add3A_126 : vector<400x64xf32>
    %mul3A_136 = arith.mulf %add3A_126, %add3A_101 : vector<400x64xf32>
    %add3A_137 = arith.addf %mul3A_135, %mul3A_136 : vector<400x64xf32>
    %mul3A_138 = arith.mulf %add3A_102, %sub3A_129 : vector<400x64xf32>
    %mul3A_139 = arith.mulf %add3A_127, %sub3A_104 : vector<400x64xf32>
    %add3A_140 = arith.addf %mul3A_138, %mul3A_139 : vector<400x64xf32>
    %add3A_141 = arith.addf %add3A_137, %add3A_140 : vector<400x64xf32>
    %mul3A_142 = arith.mulf %add3A_103, %sub3A_132 : vector<400x64xf32>
    %mul3A_143 = arith.mulf %add3A_128, %sub3A_107 : vector<400x64xf32>
    %add3A_144 = arith.addf %mul3A_142, %mul3A_143 : vector<400x64xf32>
    %add3A_145 = arith.addf %add3A_141, %add3A_144 : vector<400x64xf32>
    %mul3A_146 = arith.mulf %add3A_101, %add3A_127 : vector<400x64xf32>
    %mul3A_147 = arith.mulf %add3A_126, %add3A_102 : vector<400x64xf32>
    %add3A_148 = arith.addf %mul3A_146, %mul3A_147 : vector<400x64xf32>
    %mul3A_149 = arith.mulf %add3A_102, %add3A_130 : vector<400x64xf32>
    %mul3A_150 = arith.mulf %add3A_127, %add3A_105 : vector<400x64xf32>
    %add3A_151 = arith.addf %mul3A_149, %mul3A_150 : vector<400x64xf32>
    %add3A_152 = arith.addf %add3A_148, %add3A_151 : vector<400x64xf32>
    %mul3A_153 = arith.mulf %add3A_103, %sub3A_133 : vector<400x64xf32>
    %mul3A_154 = arith.mulf %add3A_128, %sub3A_108 : vector<400x64xf32>
    %add3A_155 = arith.addf %mul3A_153, %mul3A_154 : vector<400x64xf32>
    %add3A_156 = arith.addf %add3A_152, %add3A_155 : vector<400x64xf32>
    %mul3A_157 = arith.mulf %add3A_101, %add3A_128 : vector<400x64xf32>
    %mul3A_158 = arith.mulf %add3A_126, %add3A_103 : vector<400x64xf32>
    %add3A_159 = arith.addf %mul3A_157, %mul3A_158 : vector<400x64xf32>
    %mul3A_160 = arith.mulf %add3A_102, %add3A_131 : vector<400x64xf32>
    %mul3A_161 = arith.mulf %add3A_127, %add3A_106 : vector<400x64xf32>
    %add3A_162 = arith.addf %mul3A_160, %mul3A_161 : vector<400x64xf32>
    %add3A_163 = arith.addf %add3A_159, %add3A_162 : vector<400x64xf32>
    %mul3A_164 = arith.mulf %add3A_103, %add3A_134 : vector<400x64xf32>
    %mul3A_165 = arith.mulf %add3A_128, %add3A_109 : vector<400x64xf32>
    %add3A_166 = arith.addf %mul3A_164, %mul3A_165 : vector<400x64xf32>
    %add3A_167 = arith.addf %add3A_163, %add3A_166 : vector<400x64xf32>
    %mul3A_168 = arith.mulf %sub3A_104, %add3A_126 : vector<400x64xf32>
    %mul3A_169 = arith.mulf %sub3A_129, %add3A_101 : vector<400x64xf32>
    %add3A_170 = arith.addf %mul3A_168, %mul3A_169 : vector<400x64xf32>
    %mul3A_171 = arith.mulf %add3A_105, %sub3A_129 : vector<400x64xf32>
    %mul3A_172 = arith.mulf %add3A_130, %sub3A_104 : vector<400x64xf32>
    %add3A_173 = arith.addf %mul3A_171, %mul3A_172 : vector<400x64xf32>
    %add3A_174 = arith.addf %add3A_170, %add3A_173 : vector<400x64xf32>
    %mul3A_175 = arith.mulf %add3A_106, %sub3A_132 : vector<400x64xf32>
    %mul3A_176 = arith.mulf %add3A_131, %sub3A_107 : vector<400x64xf32>
    %add3A_177 = arith.addf %mul3A_175, %mul3A_176 : vector<400x64xf32>
    %add3A_178 = arith.addf %add3A_174, %add3A_177 : vector<400x64xf32>
    %mul3A_179 = arith.mulf %sub3A_104, %add3A_127 : vector<400x64xf32>
    %mul3A_180 = arith.mulf %sub3A_129, %add3A_102 : vector<400x64xf32>
    %add3A_181 = arith.addf %mul3A_179, %mul3A_180 : vector<400x64xf32>
    %mul3A_182 = arith.mulf %add3A_105, %add3A_130 : vector<400x64xf32>
    %mul3A_183 = arith.mulf %add3A_130, %add3A_105 : vector<400x64xf32>
    %add3A_184 = arith.addf %mul3A_182, %mul3A_183 : vector<400x64xf32>
    %add3A_185 = arith.addf %add3A_181, %add3A_184 : vector<400x64xf32>
    %mul3A_186 = arith.mulf %add3A_106, %sub3A_133 : vector<400x64xf32>
    %mul3A_187 = arith.mulf %add3A_131, %sub3A_108 : vector<400x64xf32>
    %add3A_188 = arith.addf %mul3A_186, %mul3A_187 : vector<400x64xf32>
    %add3A_189 = arith.addf %add3A_185, %add3A_188 : vector<400x64xf32>
    %mul3A_190 = arith.mulf %sub3A_104, %add3A_128 : vector<400x64xf32>
    %mul3A_191 = arith.mulf %sub3A_129, %add3A_103 : vector<400x64xf32>
    %add3A_192 = arith.addf %mul3A_190, %mul3A_191 : vector<400x64xf32>
    %mul3A_193 = arith.mulf %add3A_105, %add3A_131 : vector<400x64xf32>
    %mul3A_194 = arith.mulf %add3A_130, %add3A_106 : vector<400x64xf32>
    %add3A_195 = arith.addf %mul3A_193, %mul3A_194 : vector<400x64xf32>
    %add3A_196 = arith.addf %add3A_192, %add3A_195 : vector<400x64xf32>
    %mul3A_197 = arith.mulf %add3A_106, %add3A_134 : vector<400x64xf32>
    %mul3A_198 = arith.mulf %add3A_131, %add3A_109 : vector<400x64xf32>
    %add3A_199 = arith.addf %mul3A_197, %mul3A_198 : vector<400x64xf32>
    %add3A_200 = arith.addf %add3A_196, %add3A_199 : vector<400x64xf32>
    %mul3A_201 = arith.mulf %sub3A_107, %add3A_126 : vector<400x64xf32>
    %mul3A_202 = arith.mulf %sub3A_132, %add3A_101 : vector<400x64xf32>
    %add3A_203 = arith.addf %mul3A_201, %mul3A_202 : vector<400x64xf32>
    %mul3A_204 = arith.mulf %sub3A_108, %sub3A_129 : vector<400x64xf32>
    %mul3A_205 = arith.mulf %sub3A_133, %sub3A_104 : vector<400x64xf32>
    %add3A_206 = arith.addf %mul3A_204, %mul3A_205 : vector<400x64xf32>
    %add3A_207 = arith.addf %add3A_203, %add3A_206 : vector<400x64xf32>
    %mul3A_208 = arith.mulf %add3A_109, %sub3A_132 : vector<400x64xf32>
    %mul3A_209 = arith.mulf %add3A_134, %sub3A_107 : vector<400x64xf32>
    %add3A_210 = arith.addf %mul3A_208, %mul3A_209 : vector<400x64xf32>
    %add3A_211 = arith.addf %add3A_207, %add3A_210 : vector<400x64xf32>
    %mul3A_212 = arith.mulf %sub3A_107, %add3A_127 : vector<400x64xf32>
    %mul3A_213 = arith.mulf %sub3A_132, %add3A_102 : vector<400x64xf32>
    %add3A_214 = arith.addf %mul3A_212, %mul3A_213 : vector<400x64xf32>
    %mul3A_215 = arith.mulf %sub3A_108, %add3A_130 : vector<400x64xf32>
    %mul3A_216 = arith.mulf %sub3A_133, %add3A_105 : vector<400x64xf32>
    %add3A_217 = arith.addf %mul3A_215, %mul3A_216 : vector<400x64xf32>
    %add3A_218 = arith.addf %add3A_214, %add3A_217 : vector<400x64xf32>
    %mul3A_219 = arith.mulf %add3A_109, %sub3A_133 : vector<400x64xf32>
    %mul3A_220 = arith.mulf %add3A_134, %sub3A_108 : vector<400x64xf32>
    %add3A_221 = arith.addf %mul3A_219, %mul3A_220 : vector<400x64xf32>
    %add3A_222 = arith.addf %add3A_218, %add3A_221 : vector<400x64xf32>
    %mul3A_223 = arith.mulf %sub3A_107, %add3A_128 : vector<400x64xf32>
    %mul3A_224 = arith.mulf %sub3A_132, %add3A_103 : vector<400x64xf32>
    %add3A_225 = arith.addf %mul3A_223, %mul3A_224 : vector<400x64xf32>
    %mul3A_226 = arith.mulf %sub3A_108, %add3A_131 : vector<400x64xf32>
    %mul3A_227 = arith.mulf %sub3A_133, %add3A_106 : vector<400x64xf32>
    %add3A_228 = arith.addf %mul3A_226, %mul3A_227 : vector<400x64xf32>
    %add3A_229 = arith.addf %add3A_225, %add3A_228 : vector<400x64xf32>
    %mul3A_230 = arith.mulf %add3A_109, %add3A_134 : vector<400x64xf32>
    %mul3A_231 = arith.mulf %add3A_134, %add3A_109 : vector<400x64xf32>
    %add3A_232 = arith.addf %mul3A_230, %mul3A_231 : vector<400x64xf32>
    %add3A_233 = arith.addf %add3A_229, %add3A_232 : vector<400x64xf32>
    %add3A_234 = arith.addf %add3A_145, %add3A_189 : vector<400x64xf32>
    %add3A_235 = arith.addf %add3A_234, %add3A_233 : vector<400x64xf32>
    %mul3A_236 = arith.constant 0.333333343 : f32
    %mul3A_237 = vector.broadcast %mul3A_236 : f32 to vector<400x64xf32>
    %mul3A_238 = arith.mulf %add3A_235, %mul3A_237 : vector<400x64xf32>
    %mul3A_239 = arith.mulf %add3A_145, %add3A_145 : vector<400x64xf32>
    %add3A_240 = arith.constant 0.000000e+00 : f32
    %add3A_241 = vector.broadcast %add3A_240 : f32 to vector<400x64xf32>
    %add3A_242 = arith.addf %add3A_241, %mul3A_239 : vector<400x64xf32>
    %mul3A_243 = arith.mulf %add3A_156, %add3A_156 : vector<400x64xf32>
    %add3A_244 = arith.addf %add3A_242, %mul3A_243 : vector<400x64xf32>
    %mul3A_245 = arith.mulf %add3A_167, %add3A_167 : vector<400x64xf32>
    %add3A_246 = arith.addf %add3A_244, %mul3A_245 : vector<400x64xf32>
    %mul3A_247 = arith.mulf %add3A_178, %add3A_178 : vector<400x64xf32>
    %add3A_248 = arith.addf %add3A_246, %mul3A_247 : vector<400x64xf32>
    %mul3A_249 = arith.mulf %add3A_189, %add3A_189 : vector<400x64xf32>
    %add3A_250 = arith.addf %add3A_248, %mul3A_249 : vector<400x64xf32>
    %mul3A_251 = arith.mulf %add3A_200, %add3A_200 : vector<400x64xf32>
    %add3A_252 = arith.addf %add3A_250, %mul3A_251 : vector<400x64xf32>
    %mul3A_253 = arith.mulf %add3A_211, %add3A_211 : vector<400x64xf32>
    %add3A_254 = arith.addf %add3A_252, %mul3A_253 : vector<400x64xf32>
    %mul3A_255 = arith.mulf %add3A_222, %add3A_222 : vector<400x64xf32>
    %add3A_256 = arith.addf %add3A_254, %mul3A_255 : vector<400x64xf32>
    %mul3A_257 = arith.mulf %add3A_233, %add3A_233 : vector<400x64xf32>
    %add3A_258 = arith.addf %add3A_256, %mul3A_257 : vector<400x64xf32>
    %add3A_259 = arith.constant 1.000000e+00 : f32
    %add3A_260 = vector.broadcast %add3A_259 : f32 to vector<400x64xf32>
    %add3A_261 = arith.addf %add3A_260, %add3A_258 : vector<400x64xf32>
    %div3A_262 = arith.constant 1.000000e+00 : f32
    %div3A_263 = vector.broadcast %div3A_262 : f32 to vector<400x64xf32>
    %div3A_264 = arith.divf %div3A_263, %add3A_261 : vector<400x64xf32>
    %sub3A_265 = arith.subf %add3A_156, %add3A_178 : vector<400x64xf32>
    %mul3A_266 = arith.constant 5.000000e-01 : f32
    %mul3A_267 = vector.broadcast %mul3A_266 : f32 to vector<400x64xf32>
    %mul3A_268 = arith.mulf %mul3A_267, %sub3A_265 : vector<400x64xf32>
    %mul3A_269 = arith.mulf %mul3A_268, %div3A_264 : vector<400x64xf32>
    %sub3A_270 = arith.subf %add3A_167, %add3A_211 : vector<400x64xf32>
    %mul3A_271 = arith.constant 5.000000e-01 : f32
    %mul3A_272 = vector.broadcast %mul3A_271 : f32 to vector<400x64xf32>
    %mul3A_273 = arith.mulf %mul3A_272, %sub3A_270 : vector<400x64xf32>
    %mul3A_274 = arith.mulf %mul3A_273, %div3A_264 : vector<400x64xf32>
    %sub3A_275 = arith.subf %add3A_200, %add3A_222 : vector<400x64xf32>
    %mul3A_276 = arith.constant 5.000000e-01 : f32
    %mul3A_277 = vector.broadcast %mul3A_276 : f32 to vector<400x64xf32>
    %mul3A_278 = arith.mulf %mul3A_277, %sub3A_275 : vector<400x64xf32>
    %mul3A_279 = arith.mulf %mul3A_278, %div3A_264 : vector<400x64xf32>
    %add3A_280 = arith.addf %add3A_156, %add3A_178 : vector<400x64xf32>
    %mul3A_281 = arith.constant 5.000000e-01 : f32
    %mul3A_282 = vector.broadcast %mul3A_281 : f32 to vector<400x64xf32>
    %mul3A_283 = arith.mulf %mul3A_282, %add3A_280 : vector<400x64xf32>
    %mul3A_284 = arith.mulf %mul3A_283, %div3A_264 : vector<400x64xf32>
    %add3A_285 = arith.addf %add3A_167, %add3A_211 : vector<400x64xf32>
    %mul3A_286 = arith.constant 5.000000e-01 : f32
    %mul3A_287 = vector.broadcast %mul3A_286 : f32 to vector<400x64xf32>
    %mul3A_288 = arith.mulf %mul3A_287, %add3A_285 : vector<400x64xf32>
    %mul3A_289 = arith.mulf %mul3A_288, %div3A_264 : vector<400x64xf32>
    %add3A_290 = arith.addf %add3A_200, %add3A_222 : vector<400x64xf32>
    %mul3A_291 = arith.constant 5.000000e-01 : f32
    %mul3A_292 = vector.broadcast %mul3A_291 : f32 to vector<400x64xf32>
    %mul3A_293 = arith.mulf %mul3A_292, %add3A_290 : vector<400x64xf32>
    %mul3A_294 = arith.mulf %mul3A_293, %div3A_264 : vector<400x64xf32>
    %sub3A_295 = arith.subf %add3A_145, %mul3A_238 : vector<400x64xf32>
    %mul3A_296 = arith.mulf %sub3A_295, %div3A_264 : vector<400x64xf32>
    %sub3A_297 = arith.subf %add3A_189, %mul3A_238 : vector<400x64xf32>
    %mul3A_298 = arith.mulf %sub3A_297, %div3A_264 : vector<400x64xf32>
    %sub3A_299 = arith.subf %add3A_233, %mul3A_238 : vector<400x64xf32>
    %mul3A_300 = arith.mulf %sub3A_299, %div3A_264 : vector<400x64xf32>
    %mul3A_301 = arith.mulf %mul3A_238, %div3A_264 : vector<400x64xf32>
    %get3A_302 = arith.constant 0 : index
    %get3A_303 = arith.constant 0 : index
    %get3A_304 = vector.load %arg6[%get3A_302, %get3A_303] : memref<64x64xf32, #tpu.memory_space<vmem>>, vector<64x64xf32>
    %dot_general3A_305 = arith.constant dense<0.000000e+00> : vector<400x64xf32>
    %dot_general3A_306 = tpu.matmul %mul3A_301, %get3A_304, %dot_general3A_305 {dimension_numbers = #tpu.dot_dimension_numbers<[1], [0], [0], [1], [0, 0, 1, 1], [], []>, transpose_lhs_hint = false} : vector<400x64xf32>, vector<64x64xf32>, vector<400x64xf32> -> vector<400x64xf32>
    %get3A_307 = arith.constant 0 : index
    %get3A_308 = arith.constant 0 : index
    %get3A_309 = vector.load %arg7[%get3A_307, %get3A_308] : memref<64x64xf32, #tpu.memory_space<vmem>>, vector<64x64xf32>
    %get3A_310 = arith.constant 0 : index
    %get3A_311 = arith.constant 0 : index
    %get3A_312 = vector.load %arg8[%get3A_310, %get3A_311] : memref<64x64xf32, #tpu.memory_space<vmem>>, vector<64x64xf32>
    %dot_general3A_313 = arith.constant dense<0.000000e+00> : vector<400x64xf32>
    %dot_general3A_314 = tpu.matmul %mul3A_269, %get3A_309, %dot_general3A_313 {dimension_numbers = #tpu.dot_dimension_numbers<[1], [0], [0], [1], [0, 0, 1, 1], [], []>, transpose_lhs_hint = false} : vector<400x64xf32>, vector<64x64xf32>, vector<400x64xf32> -> vector<400x64xf32>
    %dot_general3A_315 = arith.constant dense<0.000000e+00> : vector<400x64xf32>
    %dot_general3A_316 = tpu.matmul %mul3A_274, %get3A_309, %dot_general3A_315 {dimension_numbers = #tpu.dot_dimension_numbers<[1], [0], [0], [1], [0, 0, 1, 1], [], []>, transpose_lhs_hint = false} : vector<400x64xf32>, vector<64x64xf32>, vector<400x64xf32> -> vector<400x64xf32>
    %dot_general3A_317 = arith.constant dense<0.000000e+00> : vector<400x64xf32>
    %dot_general3A_318 = tpu.matmul %mul3A_279, %get3A_309, %dot_general3A_317 {dimension_numbers = #tpu.dot_dimension_numbers<[1], [0], [0], [1], [0, 0, 1, 1], [], []>, transpose_lhs_hint = false} : vector<400x64xf32>, vector<64x64xf32>, vector<400x64xf32> -> vector<400x64xf32>
    %dot_general3A_319 = arith.constant dense<0.000000e+00> : vector<400x64xf32>
    %dot_general3A_320 = tpu.matmul %mul3A_296, %get3A_312, %dot_general3A_319 {dimension_numbers = #tpu.dot_dimension_numbers<[1], [0], [0], [1], [0, 0, 1, 1], [], []>, transpose_lhs_hint = false} : vector<400x64xf32>, vector<64x64xf32>, vector<400x64xf32> -> vector<400x64xf32>
    %dot_general3A_321 = arith.constant dense<0.000000e+00> : vector<400x64xf32>
    %dot_general3A_322 = tpu.matmul %mul3A_284, %get3A_312, %dot_general3A_321 {dimension_numbers = #tpu.dot_dimension_numbers<[1], [0], [0], [1], [0, 0, 1, 1], [], []>, transpose_lhs_hint = false} : vector<400x64xf32>, vector<64x64xf32>, vector<400x64xf32> -> vector<400x64xf32>
    %dot_general3A_323 = arith.constant dense<0.000000e+00> : vector<400x64xf32>
    %dot_general3A_324 = tpu.matmul %mul3A_289, %get3A_312, %dot_general3A_323 {dimension_numbers = #tpu.dot_dimension_numbers<[1], [0], [0], [1], [0, 0, 1, 1], [], []>, transpose_lhs_hint = false} : vector<400x64xf32>, vector<64x64xf32>, vector<400x64xf32> -> vector<400x64xf32>
    %dot_general3A_325 = arith.constant dense<0.000000e+00> : vector<400x64xf32>
    %dot_general3A_326 = tpu.matmul %mul3A_298, %get3A_312, %dot_general3A_325 {dimension_numbers = #tpu.dot_dimension_numbers<[1], [0], [0], [1], [0, 0, 1, 1], [], []>, transpose_lhs_hint = false} : vector<400x64xf32>, vector<64x64xf32>, vector<400x64xf32> -> vector<400x64xf32>
    %dot_general3A_327 = arith.constant dense<0.000000e+00> : vector<400x64xf32>
    %dot_general3A_328 = tpu.matmul %mul3A_294, %get3A_312, %dot_general3A_327 {dimension_numbers = #tpu.dot_dimension_numbers<[1], [0], [0], [1], [0, 0, 1, 1], [], []>, transpose_lhs_hint = false} : vector<400x64xf32>, vector<64x64xf32>, vector<400x64xf32> -> vector<400x64xf32>
    %dot_general3A_329 = arith.constant dense<0.000000e+00> : vector<400x64xf32>
    %dot_general3A_330 = tpu.matmul %mul3A_300, %get3A_312, %dot_general3A_329 {dimension_numbers = #tpu.dot_dimension_numbers<[1], [0], [0], [1], [0, 0, 1, 1], [], []>, transpose_lhs_hint = false} : vector<400x64xf32>, vector<64x64xf32>, vector<400x64xf32> -> vector<400x64xf32>
    %add3A_331 = arith.addf %dot_general3A_306, %dot_general3A_320 : vector<400x64xf32>
    %add3A_332 = arith.addf %dot_general3A_314, %dot_general3A_322 : vector<400x64xf32>
    %add3A_333 = arith.addf %dot_general3A_316, %dot_general3A_324 : vector<400x64xf32>
    %sub3A_334 = arith.subf %dot_general3A_322, %dot_general3A_314 : vector<400x64xf32>
    %add3A_335 = arith.addf %dot_general3A_306, %dot_general3A_326 : vector<400x64xf32>
    %add3A_336 = arith.addf %dot_general3A_318, %dot_general3A_328 : vector<400x64xf32>
    %sub3A_337 = arith.subf %dot_general3A_324, %dot_general3A_316 : vector<400x64xf32>
    %sub3A_338 = arith.subf %dot_general3A_328, %dot_general3A_318 : vector<400x64xf32>
    %add3A_339 = arith.addf %dot_general3A_306, %dot_general3A_330 : vector<400x64xf32>
    %add3A_340 = arith.addf %mul3A_33, %add3A_331 : vector<400x64xf32>
    %mul3A_341 = arith.mulf %add3A_331, %add3A_331 : vector<400x64xf32>
    %mul3A_342 = arith.mulf %add3A_332, %sub3A_334 : vector<400x64xf32>
    %add3A_343 = arith.addf %mul3A_341, %mul3A_342 : vector<400x64xf32>
    %mul3A_344 = arith.mulf %add3A_333, %sub3A_337 : vector<400x64xf32>
    %add3A_345 = arith.addf %add3A_343, %mul3A_344 : vector<400x64xf32>
    %add3A_346 = arith.addf %add3A_340, %add3A_345 : vector<400x64xf32>
    %add3A_347 = arith.addf %mul3A_34, %add3A_332 : vector<400x64xf32>
    %mul3A_348 = arith.mulf %add3A_331, %add3A_332 : vector<400x64xf32>
    %mul3A_349 = arith.mulf %add3A_332, %add3A_335 : vector<400x64xf32>
    %add3A_350 = arith.addf %mul3A_348, %mul3A_349 : vector<400x64xf32>
    %mul3A_351 = arith.mulf %add3A_333, %sub3A_338 : vector<400x64xf32>
    %add3A_352 = arith.addf %add3A_350, %mul3A_351 : vector<400x64xf32>
    %add3A_353 = arith.addf %add3A_347, %add3A_352 : vector<400x64xf32>
    %add3A_354 = arith.addf %mul3A_35, %add3A_333 : vector<400x64xf32>
    %mul3A_355 = arith.mulf %add3A_331, %add3A_333 : vector<400x64xf32>
    %mul3A_356 = arith.mulf %add3A_332, %add3A_336 : vector<400x64xf32>
    %add3A_357 = arith.addf %mul3A_355, %mul3A_356 : vector<400x64xf32>
    %mul3A_358 = arith.mulf %add3A_333, %add3A_339 : vector<400x64xf32>
    %add3A_359 = arith.addf %add3A_357, %mul3A_358 : vector<400x64xf32>
    %add3A_360 = arith.addf %add3A_354, %add3A_359 : vector<400x64xf32>
    %add3A_361 = arith.addf %mul3A_36, %sub3A_334 : vector<400x64xf32>
    %mul3A_362 = arith.mulf %sub3A_334, %add3A_331 : vector<400x64xf32>
    %mul3A_363 = arith.mulf %add3A_335, %sub3A_334 : vector<400x64xf32>
    %add3A_364 = arith.addf %mul3A_362, %mul3A_363 : vector<400x64xf32>
    %mul3A_365 = arith.mulf %add3A_336, %sub3A_337 : vector<400x64xf32>
    %add3A_366 = arith.addf %add3A_364, %mul3A_365 : vector<400x64xf32>
    %add3A_367 = arith.addf %add3A_361, %add3A_366 : vector<400x64xf32>
    %add3A_368 = arith.addf %mul3A_37, %add3A_335 : vector<400x64xf32>
    %mul3A_369 = arith.mulf %sub3A_334, %add3A_332 : vector<400x64xf32>
    %mul3A_370 = arith.mulf %add3A_335, %add3A_335 : vector<400x64xf32>
    %add3A_371 = arith.addf %mul3A_369, %mul3A_370 : vector<400x64xf32>
    %mul3A_372 = arith.mulf %add3A_336, %sub3A_338 : vector<400x64xf32>
    %add3A_373 = arith.addf %add3A_371, %mul3A_372 : vector<400x64xf32>
    %add3A_374 = arith.addf %add3A_368, %add3A_373 : vector<400x64xf32>
    %add3A_375 = arith.addf %mul3A_38, %add3A_336 : vector<400x64xf32>
    %mul3A_376 = arith.mulf %sub3A_334, %add3A_333 : vector<400x64xf32>
    %mul3A_377 = arith.mulf %add3A_335, %add3A_336 : vector<400x64xf32>
    %add3A_378 = arith.addf %mul3A_376, %mul3A_377 : vector<400x64xf32>
    %mul3A_379 = arith.mulf %add3A_336, %add3A_339 : vector<400x64xf32>
    %add3A_380 = arith.addf %add3A_378, %mul3A_379 : vector<400x64xf32>
    %add3A_381 = arith.addf %add3A_375, %add3A_380 : vector<400x64xf32>
    %add3A_382 = arith.addf %mul3A_39, %sub3A_337 : vector<400x64xf32>
    %mul3A_383 = arith.mulf %sub3A_337, %add3A_331 : vector<400x64xf32>
    %mul3A_384 = arith.mulf %sub3A_338, %sub3A_334 : vector<400x64xf32>
    %add3A_385 = arith.addf %mul3A_383, %mul3A_384 : vector<400x64xf32>
    %mul3A_386 = arith.mulf %add3A_339, %sub3A_337 : vector<400x64xf32>
    %add3A_387 = arith.addf %add3A_385, %mul3A_386 : vector<400x64xf32>
    %add3A_388 = arith.addf %add3A_382, %add3A_387 : vector<400x64xf32>
    %add3A_389 = arith.addf %mul3A_40, %sub3A_338 : vector<400x64xf32>
    %mul3A_390 = arith.mulf %sub3A_337, %add3A_332 : vector<400x64xf32>
    %mul3A_391 = arith.mulf %sub3A_338, %add3A_335 : vector<400x64xf32>
    %add3A_392 = arith.addf %mul3A_390, %mul3A_391 : vector<400x64xf32>
    %mul3A_393 = arith.mulf %add3A_339, %sub3A_338 : vector<400x64xf32>
    %add3A_394 = arith.addf %add3A_392, %mul3A_393 : vector<400x64xf32>
    %add3A_395 = arith.addf %add3A_389, %add3A_394 : vector<400x64xf32>
    %add3A_396 = arith.addf %mul3A_41, %add3A_339 : vector<400x64xf32>
    %mul3A_397 = arith.mulf %sub3A_337, %add3A_333 : vector<400x64xf32>
    %mul3A_398 = arith.mulf %sub3A_338, %add3A_336 : vector<400x64xf32>
    %add3A_399 = arith.addf %mul3A_397, %mul3A_398 : vector<400x64xf32>
    %mul3A_400 = arith.mulf %add3A_339, %add3A_339 : vector<400x64xf32>
    %add3A_401 = arith.addf %add3A_399, %mul3A_400 : vector<400x64xf32>
    %add3A_402 = arith.addf %add3A_396, %add3A_401 : vector<400x64xf32>
    %concatenate3A = tpu.concatenate %add3A_346, %add3A_353, %add3A_360, %add3A_367, %add3A_374, %add3A_381, %add3A_388, %add3A_395, %add3A_402 in 1 : vector<400x64xf32>, vector<400x64xf32>, vector<400x64xf32>, vector<400x64xf32>, vector<400x64xf32>, vector<400x64xf32>, vector<400x64xf32>, vector<400x64xf32>, vector<400x64xf32> -> vector<400x576xf32>
    %swap3A = arith.constant 0 : index
    %swap3A_403 = arith.constant 0 : index
    %swap3A_404 = vector.load %arg9[%swap3A, %swap3A_403] : memref<400x576xf32, #tpu.memory_space<vmem>>, vector<400x576xf32>
    tpu.vector_store %arg9[%swap3A, %swap3A_403], %concatenate3A {strides = array<i32>} : memref<400x576xf32, #tpu.memory_space<vmem>>, vector<400x576xf32>,
    return
  }
  func.func @transform_0(%arg0: i32) -> (i32, i32) {
    %c0_i32 = arith.constant 0 : i32
    %c0_i32_0 = arith.constant 0 : i32
    return %arg0, %c0_i32 : i32, i32
  }
  func.func @transform_1(%arg0: i32) -> (i32, i32) {
    %c0_i32 = arith.constant 0 : i32
    %c0_i32_0 = arith.constant 0 : i32
    return %arg0, %c0_i32 : i32, i32
  }
  func.func @transform_2(%arg0: i32) -> (i32, i32) {
    %c0_i32 = arith.constant 0 : i32
    %c0_i32_0 = arith.constant 0 : i32
    %c0_i32_1 = arith.constant 0 : i32
    return %c0_i32, %c0_i32_0 : i32, i32
  }
  func.func @transform_3(%arg0: i32) -> (i32, i32) {
    %c0_i32 = arith.constant 0 : i32
    %c0_i32_0 = arith.constant 0 : i32
    %c0_i32_1 = arith.constant 0 : i32
    return %c0_i32, %c0_i32_0 : i32, i32
  }
  func.func @transform_4(%arg0: i32) -> (i32, i32) {
    %c0_i32 = arith.constant 0 : i32
    %c0_i32_0 = arith.constant 0 : i32
    %c0_i32_1 = arith.constant 0 : i32
    return %c0_i32, %c0_i32_0 : i32, i32
  }
  func.func @transform_5(%arg0: i32) -> (i32, i32) {
    %c0_i32 = arith.constant 0 : i32
    %c0_i32_0 = arith.constant 0 : i32
    %c0_i32_1 = arith.constant 0 : i32
    return %c0_i32, %c0_i32_0 : i32, i32
  }
  func.func @transform_6(%arg0: i32) -> (i32, i32) {
    %c0_i32 = arith.constant 0 : i32
    %c0_i32_0 = arith.constant 0 : i32
    %c0_i32_1 = arith.constant 0 : i32
    return %c0_i32, %c0_i32_0 : i32, i32
  }
  func.func @transform_7(%arg0: i32) -> (i32, i32) {
    %c0_i32 = arith.constant 0 : i32
    %c0_i32_0 = arith.constant 0 : i32
    %c0_i32_1 = arith.constant 0 : i32
    return %c0_i32, %c0_i32_0 : i32, i32
  }
  func.func @transform_8(%arg0: i32) -> (i32, i32) {
    %c0_i32 = arith.constant 0 : i32
    %c0_i32_0 = arith.constant 0 : i32
    return %arg0, %c0_i32 : i32, i32
  }
}

</mosaic_0001>

<sc_bundles>
// kernel: kernel.5.cloned.1.call-start
scs
__scs_entry_jumppad:
0x0: {  	(pc) =	sbr.rel $0x88, $3  }
0x1: {  	(tag) =	ssettag $0x0;
	lr =	simm.s32 $0x1  }
0x2: {  	[smem:$0x3F91] =	sst lr;
	_ =	strace $0xD0000000  }
0x3: {  	_ = 	snop  }
0x4: {  	_ = 	snop  }
0x5: {  	_ = 	snop  }
0x6: {  	_ = 	snop  }
0x7: {  	_ = 	snop  }
__scs_overlays_trampoline_lowered:
0x8: {  	[smem:$0x3FA0] =	sst s0  }
0x9: {  	[smem:$0x3FA1] =	sst s1  }
0xa: {  	[smem:$0x3FA2] =	sst s2  }
0xb: {  	[smem:$0x3FA3] =	sst s3  }
0xc: {  	[smem:$0x3FA4] =	sst s4  }
0xd: {  	[smem:$0x3FA5] =	sst s5  }
0xe: {  	[smem:$0x3FA6] =	sst s6  }
0xf: {  	[smem:$0x3FA7] =	sst s7  }
0x10: {  	[smem:$0x3FA8] =	sst s8  }
0x11: {  	[smem:$0x3FA9] =	sst s9;
	s0 =	simm.s32 @!p0 $0x0  }
0x12: {  	s1 =	sld [smem:$0x3F8F];
	s0 =	simm.s32 @p0 $0x1  }
0x13: {  	[smem:$0x3FAA] =	sst s0;
	s0 =	simm.s32 @!p1 $0x0  }
0x14: {  	s2 =	sld [smem:$0x3F8E];
	s0 =	simm.s32 @p1 $0x1  }
0x15: {  	[smem:$0x3FAB] =	sst s0;
	s0 =	simm.s32 @!p2 $0x0  }
0x16: {  	s3 =	sld [smem:$0x3FDB];
	s0 =	simm.s32 @p2 $0x1  }
0x17: {  	s4 =	simm.s32 $0x1BF5;
	[smem:$0x3FAD] =	sst s0  }
0x18: {  	s0 =	sld [smem:$0x3F90];
	_ =	swait.ge [sflag:s4], $0x0  }
0x19: {  	s7 =	sld [smem:$0x3F91]  }
0x1a: {  	s8 =	sadd.s32 $0xFFFFE003, lr  }
0x1b: {  	s9 =	sadd.s32 $0xFFFFFEF7, lr;
	s5 =	simm.s32 $0xFFFFFFFF;
	p2 =	slt.u32 s8, $0xFFFFF086  }
0x1c: {  	p1 =	slt.u32 s9, $0xF7A;
	s5 =	simm.s32 @!p2 $0x0  }
0x1d: {  	s5 =	simm.s32 @p1 $0x1;
	p0 =	seq.s32 s7, s2  }
0x1e: {  	s7 =	smul.u32 @!p0 $0xF7A, s2;
	p2 =	seq.s32 @!p0 s5, $0x0  }
0x1f: {  	s9 =	smul.u32 $0xF7A, s1;
	s8 =	simm.s32 @!p0 $0x1BF5;
	p2 =	por !p2, p0  }
0x20: {  	[sflag:s8] =	ssyncset.s32 @!p0 $0xFFFFF086;
	s6 =	sadd.s32 @!p0 s3, s7;
	s7 =	simm.s32 @!p0 $0x108  }
0x21: {  	s3 =	sadd.s32 s3, s9;
	s6 =	sadd.s32 @!p0 $0x88, s6;
	s7 =	simm.s32 @p2 $0x1082  }
0x22: {  	[simem:s7], [sflag:s8] =	dma.local @!p0 [hbm:s6], $0xF7A  }
0x23: {  	s9 =	sor.u32 $0xD0000000, s2;
	s6 =	simm.s32 $0x108;
	_ =	swait.ge @!p0 [sflag:s8], $0x0  }
0x24: {  	s3 =	sadd.s32 $0x88, s3;
	s6 =	simm.s32 @!p1 $0x1082;
	[sflag:s4] =	ssyncset.s32 $0xFFFFF086  }
0x25: {  	[simem:s6], [sflag:s4] =	dma.local [hbm:s3], $0xF7A  }
0x26: {  	[smem:$0x3F91] =	sst s1;
	(tag) =	ssettag s2;
	_ =	strace s9  }
0x27: {  	s1 =	sld [smem:$0x3FA1]  }
0x28: {  	s2 =	sld [smem:$0x3FA2]  }
0x29: {  	s4 =	sld [smem:$0x3FA4]  }
0x2a: {  	p0 =	seq.s32 s5, $0x0;
	s5 =	sld [smem:$0x3FA5]  }
0x2b: {  	s6 =	sld [smem:$0x3FA6]  }
0x2c: {  	s7 =	sld [smem:$0x3FA7]  }
0x2d: {  	s3 =	simm.s32 $0x108;
	s8 =	sld [smem:$0x3FA8]  }
0x2e: {  	s3 =	simm.s32 @!p0 $0x1082;
	s9 =	sld [smem:$0x3FA9]  }
0x2f: {  	lr =	sadd.s32 s0, s3;
	s0 =	sld [smem:$0x3FA0]  }
0x30: {  	s3 =	sld [smem:$0x3FA3]  }
0x31: {  	[smem:$0x3FAC] =	sst s10  }
0x32: {  	s10 =	sld [smem:$0x3FAA];
	_ =	sdelay $0x3  }
0x33: {  	p0 =	seq.s32 s10, $0x1;
	s10 =	sld [smem:$0x3FAC];
	_ =	sdelay $0x3  }
0x34: {  	[smem:$0x3FAC] =	sst s10  }
0x35: {  	s10 =	sld [smem:$0x3FAB];
	_ =	sdelay $0x3  }
0x36: {  	p1 =	seq.s32 s10, $0x1;
	s10 =	sld [smem:$0x3FAC];
	_ =	sdelay $0x3  }
0x37: {  	[smem:$0x3FAC] =	sst s10  }
0x38: {  	s10 =	sld [smem:$0x3FAD]  }
0x39: {  	_ = 	snop;
	(pc) =	sbr.ind lr, $3  }
0x3a: {  	_ = 	snop  }
0x3b: {  	_ = 	snop  }
0x3c: {  	p2 =	seq.s32 s10, $0x1;
	s10 =	sld [smem:$0x3FAC]  }
0x3d: {  	_ =	shalt  }
0x3e: {  	_ =	shalt  }
0x3f: {  	_ =	shalt  }
0x40: {  	_ =	shalt  }
0x41: {  	_ =	shalt  }
0x42: {  	_ =	shalt  }
0x43: {  	_ =	shalt  }
0x44: {  	_ =	shalt  }
0x45: {  	_ =	shalt  }
0x46: {  	_ =	shalt  }
0x47: {  	_ =	shalt  }
0x48: {  	_ =	shalt  }
0x49: {  	_ =	shalt  }
0x4a: {  	_ =	shalt  }
0x4b: {  	_ =	shalt  }
0x4c: {  	_ =	shalt  }
0x4d: {  	_ =	shalt  }
0x4e: {  	_ =	shalt  }
0x4f: {  	_ =	shalt  }
0x50: {  	_ =	shalt  }
0x51: {  	_ =	shalt  }
0x52: {  	_ =	shalt  }
0x53: {  	_ =	shalt  }
0x54: {  	_ =	shalt  }
0x55: {  	_ =	shalt  }
0x56: {  	_ =	shalt  }
0x57: {  	_ =	shalt  }
0x58: {  	_ =	shalt  }
0x59: {  	_ =	shalt  }
0x5a: {  	_ =	shalt  }
0x5b: {  	_ =	shalt  }
0x5c: {  	_ =	shalt  }
0x5d: {  	_ =	shalt  }
0x5e: {  	_ =	shalt  }
0x5f: {  	_ =	shalt  }
0x60: {  	_ =	shalt  }
0x61: {  	_ =	shalt  }
0x62: {  	_ =	shalt  }
0x63: {  	_ =	shalt  }
0x64: {  	_ =	shalt  }
0x65: {  	_ =	shalt  }
0x66: {  	_ =	shalt  }
0x67: {  	_ =	shalt  }
0x68: {  	_ =	shalt  }
0x69: {  	_ =	shalt  }
0x6a: {  	_ =	shalt  }
0x6b: {  	_ =	shalt  }
0x6c: {  	_ =	shalt  }
0x6d: {  	_ =	shalt  }
0x6e: {  	_ =	shalt  }
0x6f: {  	_ =	shalt  }
0x70: {  	_ =	shalt  }
0x71: {  	_ =	shalt  }
0x72: {  	_ =	shalt  }
0x73: {  	_ =	shalt  }
0x74: {  	_ =	shalt  }
0x75: {  	_ =	shalt  }
0x76: {  	_ =	shalt  }
0x77: {  	_ =	shalt  }
0x78: {  	_ =	shalt  }
0x79: {  	_ =	shalt  }
0x7a: {  	_ =	shalt  }
0x7b: {  	_ =	shalt  }
0x7c: {  	_ =	shalt  }
0x7d: {  	_ =	shalt  }
0x7e: {  	_ =	shalt  }
0x7f: {  	_ =	shalt  }
0x80: {  	_ =	shalt  }
0x81: {  	_ =	shalt  }
0x82: {  	_ =	shalt  }
0x83: {  	_ =	shalt  }
0x84: {  	_ =	shalt  }
0x85: {  	_ =	shalt  }
0x86: {  	_ =	shalt  }
0x87: {  	_ =	shalt  }
.Lfunc_end0:
.L_simem_size_0:
called_computation_lowered:
.L_overlay_start_0:
0x88: {  	s2 =	sld [smem:$0x3FD9]  }
0x89: {  	s3 =	sld [smem:$0x3FFE];
	_ =	sdelay $0x1  }
0x8a: {  	s1 =	srdreg.scid  }
0x8b: {  	s0 =	sand.u32 $0x1, s1  }
0x8c: {  	s17 =	sshll.u32 s0, $0xA;
	s2 =	sadd.s32 s3, s2  }
0x8d: {  	s2 =	sadd.s32 s2, s17  }
0x8e: {  	[smem:$0x3FB8] =	sst s2  }
0x8f: {  	_ = 	snop  }
0x90: {  	s2 =	sld [smem:$0x3FD0];
	(tm) =	ssettm $0x1  }
0x91: {  	s18 =	sld [smem:$0x3FFB];
	_ =	sdelay $0x3  }
0x92: {  	_ =	strace s18  }
0x93: {  	s3 =	sld [smem:$0x3FFC];
	_ =	sdelay $0x3  }
0x94: {  	_ =	strace s3  }
0x95: {  	s3 =	sld [smem:$0x3FFD];
	_ =	sdelay $0x3  }
0x96: {  	_ =	strace s3  }
0x97: {  	_ =	strace $0x8FFFFFFF  }
0x98: {  	s19 =	sld [smem:$0x3FDB];
	_ =	sdelay $0x1  }
0x99: {  	s4 =	simm.s32 $_scs_section_size  }
0x9a: {  	s5 =	simm.s32 $_size__tile_overlayer_lowered;
	s6 =	simm.s32 $_tile_overlayer_lowered  }
0x9b: {  	s22 =	simm.s32 $0x1BFF;
	s21 =	sshll.u32 s6, $0x1;
	s3 =	sadd.s32 s4, s19  }
0x9c: {  	s7 =	simm.s32 $0x0;
	s20 =	sshll.u32 s5, $0x1;
	s5 =	sadd.s32 s21, s3  }
0x9d: {  	[timem:s7], [sflag:s22] =	dma.local [hbm:s5], s20  }
0x9e: {  	_ =	swait.ge [sflag:s22], s20  }
0x9f: {  	s4 =	ssub.s32 $0x0, s20;
	[sflag:s22] =	ssyncset.done $0x0  }
0xa0: {  	[sflag:s22] =	ssyncadd.s32 s4;
	_ =	sdelay $0x1  }
0xa1: {  	s23 =	simm.s32 $0x1B8B  }
0xa2: {  	_ =	swait.ge [sflag:s23], $0x1  }
0xa3: {  	[sflag:s23] =	ssyncset.done $0x0  }
0xa4: {  	s25 =	simm.s32 $0x1B8E;
	s24 =	sld [smem:$0x3FFE];
	[sflag:s23] =	ssyncadd.s32 $0xFFFFFFFF  }
0xa5: {  	s26 =	simm.s32 $execute0_lowered;
	[smem:$0x3FD2] =	sst s25  }
0xa6: {  	s5 =	sshll.u32 s26, $0x1;
	_ =	strace $0x80000046;
	[dreg:$0x1] =	wrdreg $0xFFFFFFFF  }
0xa7: {  	s28 =	simm.s32 $_size_execute0_lowered;
	s3 =	sadd.s32 s3, s5;
	[dreg:$0x0] =	wrdreg $0x0  }
0xa8: {  	s5 =	sshll.u32 s28, $0x1;
	[dreg:$0x2] =	wrdreg s3  }
0xa9: {  	[dreg:$0x3] =	wrdreg s5  }
0xaa: {  	[dreg:$0x4] =	wrdreg $0xC0  }
0xab: {  	_ =	task [dreg:s7], $0x5FFFF  }
0xac: {  	[dreg:$0x1] =	wrdreg $0xFFFFFFFF  }
0xad: {  	[dreg:$0x0] =	wrdreg $0x60  }
0xae: {  	[dreg:$0x2] =	wrdreg s24  }
0xaf: {  	[dreg:$0x3] =	wrdreg s2  }
0xb0: {  	[dreg:$0x4] =	wrdreg $0x89800  }
0xb1: {  	[dreg:$0x5] =	wrdreg $0x9  }
0xb2: {  	_ =	task.clear_ibuf [dreg:s7], $0x6FFFF;
	_ =	strace $0x90000046  }
0xb3: {  	s29 =	simm.s32 $0x9;
	_ =	strace $0x80000048  }
0xb4: {  	_ =	swait.ge [sflag:s29], $0x1  }
0xb5: {  	[sflag:s29] =	ssyncadd.s32 $0xFFFFFFFF  }
0xb6: {  	_ =	strace $0x90000048  }
0xb7: {  	_ =	sfence  }
0xb8: {  	s30 =	sld [smem:$0x0];
	_ =	sdelay $0x2  }
0xb9: {  	s31 =	sshll.u32 s1, $0xD;
	s1 =	sshrl.u32 s1, $0x2  }
0xba: {  	s3 =	sand.u32 $0x4000, s31;
	s1 =	sadd.s32 s1, s30  }
0xbb: {  	s0 =	sor.u32 s3, s0;
	s1 =	sshll.u32 s1, $0x11  }
0xbc: {  	s0 =	sor.u32 s1, s0  }
0xbd: {  	s0 =	sadd.s32 $0x8F2B, s0  }
0xbe: {  	[sflag:s0] =	ssyncadd.remote.s32 $0x1  }
0xbf: {  	_ =	sfence.sel $0xFFFF  }
0xc0: {  	[dreg:$0x0] =	wrdreg $0xFFFFFFFF;
	(pc) =	sbr.abs _section_cstart, $3  }
0xc1: {  	[dreg:$0x1] =	wrdreg $0xFFFFFFFF  }
0xc2: {  	_ =	task.clear_ibuf [dreg:s7], $0x2FFFF;
	_ =	strace $0x9FFFFFFF  }
0xc3: {  	(tm) =	ssettm $0x7FFFFFFF  }
tec
execute0_lowered:
.L_overlay_start_1:
0x0: {  	(tag) =	ssettag $0x1  }
0x1: {  	s0 =	rddreg [dreg:$0x0]  }
0x2: {  	s3 =	rddreg [dreg:$0x1]  }
0x3: {  	s1 =	rddreg [dreg:$0x2];
	s2 =	simm.s32 $0x0;
	s4 =	srdreg.scid  }
0x4: {  	s23 =	stileid.u32;
	s28 =	simm.s32 $0x1;
	s29 =	simm.s32 $0x3  }
0x5: {  	s30 =	simm.s32 $0x2;
	s31 =	simm.s32 $0x4;
	s9 =	smul.u32 $0x50000, s23  }
0x6: {  	[smem:$0x7FF] =	sst s2;
	s5 =	sand.u32 $0x1, s4;
	s10 =	smul.u32 $0x2710, s23  }
0x7: {  	s4 =	sadd.s32 $0x278000, s0;
	s8 =	sadd.s32 $0x273000, s0;
	s25 =	smul.u32 $0x271000, s23  }
0x8: {  	s0 =	sadd.s32 $0x2000, s0;
	s24 =	sshll.u32 s23, $0x6;
	s17 =	smul.u32 $0x28000, s23  }
0x9: {  	p0 =	seq.s32 s23, $0xF;
	_ =	strace $0x80000047;
	s6 =	ssub.s32 $0x2, s5  }
0xa: {  	[dreg:$0x4] =	wrdreg s0;
	s11 =	sshll.u32 s5, $0xA;
	s5 =	sshll.u32 s5, $0x7  }
0xb: {  	s7 =	sshrl.u32 s6, $0x1;
	s22 =	sshrl.u32 s9, $0x2;
	s12 =	sshrl.u32 s10, $0x3  }
0xc: {  	s9 =	sor.u32 s11, s25;
	s13 =	sadd.s32 $0x80, s10;
	s10 =	sadd.s32 $0x2700, s10  }
0xd: {  	s0 =	ssub.s32 s6, s7;
	s6 =	sadd.s32 s22, s1;
	s7 =	sor.u32 $0x1C05, s24  }
0xe: {  	s12 =	sadd.s32 s8, s12;
	s26 =	sshrl.u32 s9, $0x3;
	s14 =	sshll.u32 s13, $0x8  }
0xf: {  	s15 =	sshrl.u32 s13, $0x3;
	s19 =	sshll.u32 s10, $0x8;
	s10 =	sshrl.u32 s10, $0x3  }
0x10: {  	s22 =	sadd.s32 $0x18000, s9;
	s24 =	smul.u32 $0x4E2, s23;
	s23 =	simm.s32 $0x100  }
0x11: {  	[dreg:$0x5] =	wrdreg s12;
	s12 =	sadd.s32 s4, s26;
	s16 =	sor.u32 s11, s14  }
0x12: {  	s20 =	sor.u32 s11, s19;
	s11 =	sor.u32 s11, s17;
	s10 =	sadd.s32 s8, s10  }
0x13: {  	s25 =	sshrl.u32 s22, $0x3;
	s19 =	sadd.s32 $0x10000, s9;
	s22 =	simm.s32 $0x800  }
0x14: {  	[dreg:$0x6] =	wrdreg s12;
	s13 =	sshrl.u32 s16, $0x3;
	s12 =	sadd.s32 s8, s15  }
0x15: {  	[dreg:$0x9] =	wrdreg s10;
	s21 =	sshrl.u32 s20, $0x3;
	s11 =	sshrl.u32 s11, $0x3  }
0x16: {  	s16 =	smax.u32 s0, $0x1;
	s17 =	sadd.s32 s25, s4;
	s26 =	sadd.s32 s24, s8  }
0x17: {  	s20 =	simm.s32 $0x5;
	s24 =	simm.s32 $0x80;
	s0 =	simm.s32 $0x8100  }
0x18: {  	[dreg:$0x7] =	wrdreg s12;
	s18 =	sadd.s32 s4, s13;
	s10 =	sadd.s32 s4, s21  }
0x19: {  	s14 =	sadd.s32 s3, s11;
	s3 =	sadd.s32 s5, s3;
	s11 =	sadd.s32 $0x12C000, s1  }
0x1a: {  	s21 =	simm.s32 $0x400;
	s5 =	simm.s32 $0x0;
	[dreg:$0x8] =	wrdreg s18  }
0x1b: {  	[dreg:$0xa] =	wrdreg s10;
	s15 =	sadd.s32 $0x4B000, s3;
	s18 =	sadd.s32 $0x30, s26  }
0x1c: {  	s25 =	sshrl.u32 @p0 s11, $0x3;
	s26 =	simm.s32 $0x4100;
	s3 =	simm.s32 $0x8180  }
.LBB2_1:
0x1d: {  	s8 =	sshrl.u32 s6, $0x3;
	s9 =	rddreg [dreg:$0x4]  }
0x1e: {  	[spmem:s8], [sflag:s7] =	dma.local [hbm:s9], $0x2800  }
0x1f: {  	_ =	swait.ge [sflag:s20], $0x2800  }
0x20: {  	[sflag:s20] =	ssyncset.done $0x0  }
0x21: {  	[sflag:s20] =	ssyncadd.s32 $0xFFFFD800  }
0x22: {  	[bflag:$0x0] =	sbarrier.arrive $0xFFFF  }
0x23: {  	s12 =	rddreg [dreg:$0x5]  }
0x24: {  	[tilespmem:s2], [sflag:$0x1] =	stream.linear.gather [hbm4b:s12+s2], $0x80, $0x38;
	[tilespmem:$0x1C980] =	vst v63  }
0x25: {  	s13 =	rddreg [dreg:$0x6]  }
0x26: {  	[tilespmem:s23], [sflag:$0x3] =	stream.strided.gather [hbm4b:s13+s21], $0x4000, s22, s21, $0x38;
	[tilespmem:$0x1C980] =	vst v63  }
0x27: {  	s9 =	rddreg [dreg:$0x7]  }
0x28: {  	[tilespmem:s24], [sflag:$0x2] =	stream.linear.gather [hbm4b:s9+s2], $0x80, $0x38;
	[tilespmem:$0x1C980] =	vst v63  }
0x29: {  	s10 =	rddreg [dreg:$0x8]  }
0x2a: {  	[tilespmem:s26], [sflag:$0x4] =	stream.strided.gather [hbm4b:s10+s21], $0x4000, s22, s21, $0x38;
	[tilespmem:$0x1C980] =	vst v63  }
0x2b: {  	_ =	swait.ge [sflag:s28], $0x80  }
0x2c: {  	[sflag:s28] =	ssyncset.done $0x0  }
0x2d: {  	[sflag:s28] =	ssyncadd.s32 $0xFFFFFF80  }
0x2e: {  	_ =	swait.ge [sflag:s29], $0x4000  }
0x2f: {  	[sflag:s29] =	ssyncset.done $0x0  }
0x30: {  	[sflag:s29] =	ssyncadd.s32 $0xFFFFC000  }
0x31: {  	[spmem:s1] =	stream.indirect.scatter.add.f32 [tilespmem:s23], [sflag:$0x5], $0x80, s2, s24, $0xb8;
	[tilespmem:$0x1C980] =	vst v63  }
0x32: {  	_ =	swait.ge [sflag:s20], $0x4000  }
0x33: {  	[sflag:s20] =	ssyncset.done $0x0  }
0x34: {  	s11 =	sadd.s32 $0xFFFFFFF0, s18;
	s12 =	sshrl.u32 s19, $0x3;
	[sflag:s20] =	ssyncadd.s32 $0xFFFFC000  }
0x35: {  	[tilespmem:s2], [sflag:$0x1] =	stream.linear.gather [hbm4b:s11+s2], $0x80, $0x38;
	[tilespmem:$0x1C980] =	vst v63  }
0x36: {  	s13 =	sadd.s32 s4, s12  }
0x37: {  	[tilespmem:s23], [sflag:$0x3] =	stream.strided.gather [hbm4b:s13+s21], $0x4000, s22, s21, $0x38;
	[tilespmem:$0x1C980] =	vst v63  }
0x38: {  	_ =	swait.ge [sflag:s30], $0x80  }
0x39: {  	[sflag:s30] =	ssyncset.done $0x0  }
0x3a: {  	[sflag:s30] =	ssyncadd.s32 $0xFFFFFF80  }
0x3b: {  	_ =	swait.ge [sflag:s31], $0x4000  }
0x3c: {  	[sflag:s31] =	ssyncset.done $0x0  }
0x3d: {  	[sflag:s31] =	ssyncadd.s32 $0xFFFFC000  }
0x3e: {  	[spmem:s1] =	stream.indirect.scatter.add.f32 [tilespmem:s26], [sflag:$0x5], $0x80, s24, s24, $0xb8;
	[tilespmem:$0x1C980] =	vst v63  }
0x3f: {  	_ =	swait.ge [sflag:s20], $0x4000  }
0x40: {  	s8 =	simm.s32 $0x2000;
	s9 =	sadd.s32 $0x20, s18;
	[sflag:s20] =	ssyncset.done $0x0  }
0x41: {  	s10 =	sadd.s32 $0x10000, s19;
	s11 =	sadd.s32 $0x0, s17;
	[sflag:s20] =	ssyncadd.s32 $0xFFFFC000  }
0x42: {  	[tilespmem:s24], [sflag:$0x2] =	stream.linear.gather [hbm4b:s18+s2], $0x80, $0x38;
	[tilespmem:$0x1C980] =	vst v63  }
.LBB2_2:
0x43: {  	[tilespmem:s26], [sflag:$0x4] =	stream.strided.gather [hbm4b:s11+s21], $0x4000, s22, s21, $0x38;
	[tilespmem:$0x1C980] =	vst v63  }
0x44: {  	s11 =	smov.u32 s8  }
0x45: {  	p1 =	sne.s32 s8, $0x4A000;
	s8 =	sadd.s32 $0x2000, s8;
	_ =	swait.ge [sflag:s28], $0x80  }
0x46: {  	[sflag:s28] =	ssyncset.done $0x0  }
0x47: {  	[sflag:s28] =	ssyncadd.s32 $0xFFFFFF80  }
0x48: {  	_ =	swait.ge [sflag:s29], $0x4000  }
0x49: {  	[sflag:s29] =	ssyncset.done $0x0  }
0x4a: {  	[sflag:s29] =	ssyncadd.s32 $0xFFFFC000  }
0x4b: {  	[spmem:s1] =	stream.indirect.scatter.add.f32 [tilespmem:s23], [sflag:$0x5], $0x80, s2, s24, $0xb8;
	[tilespmem:$0x1C980] =	vst v63  }
0x4c: {  	_ =	swait.ge [sflag:s20], $0x4000  }
0x4d: {  	[sflag:s20] =	ssyncset.done $0x0  }
0x4e: {  	s12 =	sadd.s32 $0xFFFFFFF0, s9;
	s13 =	sshrl.u32 s10, $0x3;
	[sflag:s20] =	ssyncadd.s32 $0xFFFFC000  }
0x4f: {  	[tilespmem:s2], [sflag:$0x1] =	stream.linear.gather [hbm4b:s12+s2], $0x80, $0x38;
	[tilespmem:$0x1C980] =	vst v63  }
0x50: {  	s12 =	sadd.s32 s4, s13  }
0x51: {  	[tilespmem:s23], [sflag:$0x3] =	stream.strided.gather [hbm4b:s12+s21], $0x4000, s22, s21, $0x38;
	[tilespmem:$0x1C980] =	vst v63  }
0x52: {  	_ =	swait.ge [sflag:s30], $0x80  }
0x53: {  	[sflag:s30] =	ssyncset.done $0x0  }
0x54: {  	[sflag:s30] =	ssyncadd.s32 $0xFFFFFF80  }
0x55: {  	_ =	swait.ge [sflag:s31], $0x4000  }
0x56: {  	[sflag:s31] =	ssyncset.done $0x0  }
0x57: {  	[sflag:s31] =	ssyncadd.s32 $0xFFFFC000  }
0x58: {  	[spmem:s1] =	stream.indirect.scatter.add.f32 [tilespmem:s26], [sflag:$0x5], $0x80, s24, s24, $0xb8;
	[tilespmem:$0x1C980] =	vst v63  }
.Ltmp0:
0x59: {  	_ =	swait.ge [sflag:s20], $0x4000;
	(pc) =	sbr.rel @p1 .LBB2_2-.Ltmp0, $4  }
0x5a: {  	[sflag:s20] =	ssyncset.done $0x0  }
0x5b: {  	[sflag:s20] =	ssyncadd.s32 $0xFFFFC000  }
0x5c: {  	[tilespmem:s24], [sflag:$0x2] =	stream.linear.gather [hbm4b:s9+s2], $0x80, $0x38;
	[tilespmem:$0x1C980] =	vst v63  }
0x5d: {  	s10 =	sadd.s32 $0x10000, s10;
	s11 =	sadd.s32 s11, s17;
	s9 =	sadd.s32 $0x20, s9  }
0x5e: {  	[tilespmem:s26], [sflag:$0x4] =	stream.strided.gather [hbm4b:s11+s21], $0x4000, s22, s21, $0x38;
	[tilespmem:$0x1C980] =	vst v63  }
0x5f: {  	_ =	swait.ge [sflag:s28], $0x80  }
0x60: {  	[sflag:s28] =	ssyncset.done $0x0  }
0x61: {  	[sflag:s28] =	ssyncadd.s32 $0xFFFFFF80  }
0x62: {  	_ =	swait.ge [sflag:s29], $0x4000  }
0x63: {  	[sflag:s29] =	ssyncset.done $0x0  }
0x64: {  	[sflag:s29] =	ssyncadd.s32 $0xFFFFC000  }
0x65: {  	[spmem:s1] =	stream.indirect.scatter.add.f32 [tilespmem:s23], [sflag:$0x5], $0x80, s2, s24, $0xb8;
	[tilespmem:$0x1C980] =	vst v63  }
0x66: {  	_ =	swait.ge [sflag:s20], $0x4000  }
0x67: {  	[sflag:s20] =	ssyncset.done $0x0  }
0x68: {  	[sflag:s20] =	ssyncadd.s32 $0xFFFFC000  }
0x69: {  	_ =	swait.ge [sflag:s30], $0x80  }
0x6a: {  	[sflag:s30] =	ssyncset.done $0x0  }
0x6b: {  	[sflag:s30] =	ssyncadd.s32 $0xFFFFFF80  }
0x6c: {  	_ =	swait.ge [sflag:s31], $0x4000  }
0x6d: {  	[sflag:s31] =	ssyncset.done $0x0  }
0x6e: {  	[sflag:s31] =	ssyncadd.s32 $0xFFFFC000  }
0x6f: {  	[spmem:s1] =	stream.indirect.scatter.add.f32 [tilespmem:s26], [sflag:$0x5], $0x80, s24, s24, $0xb8;
	[tilespmem:$0x1C980] =	vst v63  }
0x70: {  	_ =	swait.ge [sflag:s20], $0x4000  }
0x71: {  	[sflag:s20] =	ssyncset.done $0x0  }
0x72: {  	s8 =	rddreg [dreg:$0x9];
	[sflag:s20] =	ssyncadd.s32 $0xFFFFC000  }
0x73: {  	[tilespmem:s0], [sflag:$0x5] =	stream.linear.gather [hbm4b:s8+s2], $0x10, $0x38;
	[tilespmem:$0x1C980] =	vst v63  }
0x74: {  	_ =	swait.ge [sflag:s20], $0x10  }
0x75: {  	[sflag:s20] =	ssyncset.done $0x0  }
0x76: {  	s12 =	rddreg [dreg:$0xa];
	[sflag:s20] =	ssyncadd.s32 $0xFFFFFFF0  }
0x77: {  	[tilespmem:s3], [sflag:$0x5] =	stream.strided.gather [hbm4b:s12+s21], $0x800, s22, s21, $0x38;
	[tilespmem:$0x1C980] =	vst v63  }
0x78: {  	_ =	swait.ge [sflag:s20], $0x800  }
0x79: {  	[sflag:s20] =	ssyncset.done $0x0  }
0x7a: {  	s13 =	simm.s32 $0x10;
	[sflag:s20] =	ssyncadd.s32 $0xFFFFF800  }
0x7b: {  	[spmem:s1] =	stream.indirect.scatter.add.f32 [tilespmem:s3], [sflag:$0x5], $0x80, s0, s13, $0xb8;
	[tilespmem:$0x1C980] =	vst v63  }
0x7c: {  	_ =	swait.ge [sflag:s20], $0x800  }
0x7d: {  	[sflag:s20] =	ssyncset.done $0x0  }
0x7e: {  	s9 =	simm.s32 @p0 $0x100;
	[sflag:s20] =	ssyncadd.s32 $0xFFFFF800  }
0x7f: {  	s10 =	simm.s32 @p0 $0x80;
	s8 =	simm.s32 @p0 $0x8;
	[bflag:$0x0] =	sbarrier.arrive $0xFFFF  }
0x80: {  	[hbm:s15@s9], [sflag:s7] =	dma.strided @p0 [spmem:s25@s10], $0x1900, s8, $0x10   }
0x81: {  	s8 =	simm.s32 @p0 $0x5  }
0x82: {  	s11 =	simm.s32 @!p0 $0x80;
	s5 =	sadd.s32 $0x1, s5;
	_ =	swait.ge @p0 [sflag:s8], $0x1900  }
0x83: {  	p1 =	sne.s32 s5, s16;
	s9 =	simm.s32 @!p0 $0x8;
	[sflag:s8] =	ssyncset.done @p0 $0x0  }
0x84: {  	s10 =	simm.s32 @!p0 $0x100;
	[sflag:s8] =	ssyncadd.s32 @p0 $0xFFFFE700;
	s8 =	sshrl.u32 @!p0 s6, $0x3  }
0x85: {  	[hbm:s14@s10], [sflag:s7] =	dma.strided @!p0 [spmem:s8@s11], $0x2800, s9, $0x10   }
.Ltmp1:
0x86: {  	_ = 	snop;
	(pc) =	sbr.rel @p1 .LBB2_1-.Ltmp1, $4  }
0x87: {  	s8 =	simm.s32 @!p0 $0x5  }
0x88: {  	_ =	swait.ge @!p0 [sflag:s8], $0x2800  }
0x89: {  	[sflag:s8] =	ssyncset.done @!p0 $0x0  }
0x8a: {  	[sflag:s8] =	ssyncadd.s32 @!p0 $0xFFFFD800  }
0x8b: {  	_ =	sfence.sel $0x180000  }
0x8c: {  	[bflag:$0x0] =	sbarrier.arrive $0xFFFF  }
0x8d: {  	_ =	strace $0x90000047  }
0x8e: {  	s0 =	stileid.u32;
	[bflag:$0x2] =	sbarrier.arrive $0xFFFF  }
0x8f: {  	p0 =	sne.s32 s0, $0x0;
	s0 =	rddreg [dreg:$0x3]  }
0x90: {  	s0 =	sadd.s32 @!p0 $0x100000, s0  }
0x91: {  	[sflag:s0] =	ssyncadd.tile.s32 @!p0 $0x1;
	_ =	shalt  }
.Lfunc_end2:
_tile_overlayer_lowered:
.L_overlay_start_2:
0x92: {  	(tag) =	ssettag $0x2  }
0x93: {  	s0 =	rddreg [dreg:$0x0];
	s2 =	stileid.u32  }
0x94: {  	s1 =	rddreg [dreg:$0x1];
	p0 =	sne.s32 s2, $0x0  }
0x95: {  	s3 =	rddreg [dreg:$0x2];
	[bflag:$0x3] =	sbarrier.arrive $0xFFFF;
	s2 =	simm.s32 @!p0 $0x1C05  }
0x96: {  	[timem:s3], [sflag:s2] =	dma.local @!p0 [hbm:s0], s1  }
0x97: {  	s0 =	simm.s32 @!p0 $0x5  }
0x98: {  	_ =	swait.ge @!p0 [sflag:s0], s1  }
0x99: {  	s1 =	ssub.s32 @!p0 $0x0, s1;
	[sflag:s0] =	ssyncset.done @!p0 $0x0  }
0x9a: {  	[sflag:s0] =	ssyncadd.s32 @!p0 s1  }
0x9b: {  	[bflag:$0x3] =	sbarrier.arrive $0xFFFF  }
0x9c: {  	_ =	shalt  }

</sc_bundles>
